<compile_context>
chip_gen: v7x
topology: tpu7x:2x2x1
jax: 0.10.2.dev20260603
libtpu: 0.0.44.dev20260713+nightly
codegen_flags: <defaults>
</compile_context>

<pallas_src>
import jax
import jax.numpy as jnp
from jax import lax
from jax.experimental import pallas as pl
from jax.experimental.pallas import tpu as pltpu
from jax.experimental.pallas import tpu_sc as plsc

NC = 2
NS = 16
NW = NC * NS
K = 80


def _tile_rows(n_p):
  rpt8 = (n_p // NS) // 8 * 8
  rem = n_p - NS * rpt8
  return rpt8, rem


def _make_agg(n_p, f, c_chunks, mode):
  rpt8, rem = _tile_rows(n_p)
  cpw = c_chunks * K
  mesh = plsc.VectorSubcoreMesh(core_axis_name="c", subcore_axis_name="s")
  out_type = [jax.ShapeDtypeStruct((n_p, f), jnp.float32),
              jax.ShapeDtypeStruct((n_p, f), jnp.float32)]
  scratch = [pltpu.VMEM((cpw,), jnp.int32),
             pltpu.VMEM((K, f), jnp.float32),
             pltpu.VMEM_SHARED((n_p, f), jnp.float32)]
  if mode == "feat":
    scratch += [pltpu.VMEM((cpw,), jnp.int32),
                pltpu.VMEM((K, f), jnp.float32),
                pltpu.VMEM((K, f), jnp.float32),
                pltpu.SemaphoreType.DMA,
                pltpu.SemaphoreType.DMA]
  scratch.append(pltpu.SemaphoreType.DMA)

  def body(*refs):
    if mode == "feat":
      (x_hbm, ei_hbm, z_hbm, p0, p1,
       row_v, rows_v, acc, col_v, rows_v1, rows_v2,
       sem0, sem1, sem2) = refs
    else:
      (ones_hbm, ei_hbm, z_hbm, p0, p1, row_v, rows_v, acc, sem0) = refs
    cid = lax.axis_index("c")
    sid = lax.axis_index("s")
    wid = sid * NC + cid
    sl = pl.ds(sid * rpt8, rpt8)
    tail = pl.ds(NS * rpt8, rem)
    pltpu.sync_copy(ei_hbm.at[0, pl.ds(wid * cpw, cpw)], row_v)
    if mode == "feat":
      pltpu.sync_copy(ei_hbm.at[1, pl.ds(wid * cpw, cpw)], col_v)
    else:
      pltpu.sync_copy(ones_hbm, rows_v)
    pltpu.sync_copy(z_hbm.at[sl], acc.at[sl])
    if rem:
      @pl.when(sid == 0)
      def _():
        pltpu.sync_copy(z_hbm.at[tail], acc.at[tail])
    plsc.subcore_barrier()

    if mode == "feat":
      assert c_chunks >= 3
      bufs = (rows_v, rows_v1, rows_v2)
      sems = (sem0, sem1, sem2)

      def gather(c, b):
        idx = col_v.at[pl.ds(c * K, K)]
        return pltpu.make_async_copy(x_hbm.at[idx], bufs[b], sems[b])

      def scat(c, b):
        idx = row_v.at[pl.ds(c * K, K)]
        pltpu.sync_copy(bufs[b], acc.at[idx], add=True)

      for b in range(3):
        gather(b, b).start()
      trips = c_chunks // 3

      def trip(i, carry):
        c0 = 3 * i
        for k in range(3):
          gather(c0 + k, k).wait()
          scat(c0 + k, k)
          gather(c0 + 3 + k, k).start()
        return carry

      lax.fori_loop(0, trips - 1, trip, 0)
      for c in range(3 * (trips - 1), c_chunks):
        b = c % 3
        gather(c, b).wait()
        scat(c, b)
        if c + 3 < c_chunks:
          gather(c + 3, b).start()
    else:
      def scat_d(c):
        idx = row_v.at[pl.ds(c * K, K)]
        return pltpu.make_async_copy(rows_v, acc.at[idx], sem0)

      def chunk(c, carry):
        scat_d(c).start(add=True)
        return carry

      lax.fori_loop(0, c_chunks, chunk, 0)

      def drain(c, carry):
        scat_d(c).wait()
        return carry

      lax.fori_loop(0, c_chunks, drain, 0)
    plsc.subcore_barrier()

    @pl.when(cid == 0)
    def _():
      pltpu.sync_copy(acc.at[sl], p0.at[sl])
      if rem:
        @pl.when(sid == 0)
        def _():
          pltpu.sync_copy(acc.at[tail], p0.at[tail])

    @pl.when(cid == 1)
    def _():
      pltpu.sync_copy(acc.at[sl], p1.at[sl])
      if rem:
        @pl.when(sid == 0)
        def _():
          pltpu.sync_copy(acc.at[tail], p1.at[tail])

  return pl.kernel(
      body, mesh=mesh, out_type=out_type, scratch_types=scratch,
      compiler_params=pltpu.CompilerParams(use_tc_tiling_on_sc=False))


def _mm1_body(p0, p1, x, d0, d1, w1, b1, out):
  deg = d0[:, 0:1] + d1[:, 0:1] + 1.0
  xm = (p0[...] + p1[...] + x[...]) / deg
  y = lax.dot_general(xm, w1[...], (((1,), (1,)), ((), ())),
                      preferred_element_type=jnp.float32)
  out[...] = jnp.maximum(y + b1[...], 0.0)


def _mm2_body(q0, q1, x1, d0, d1, w2, b2, woa, wob, bo, out):
  deg = d0[:, 0:1] + d1[:, 0:1] + 1.0
  xm = (q0[...] + q1[...] + x1[...]) / deg
  x2 = jnp.maximum(
      lax.dot_general(xm, w2[...], (((1,), (1,)), ((), ())),
                      preferred_element_type=jnp.float32) + b2[...], 0.0)
  out[...] = (lax.dot_general(x1[...], woa[...], (((1,), (1,)), ((), ())),
                              preferred_element_type=jnp.float32)
              + lax.dot_general(x2, wob[...], (((1,), (1,)), ((), ())),
                                preferred_element_type=jnp.float32)
              + bo[...])


def _row_spec(bm, f):
  return pl.BlockSpec((bm, f), lambda i: (i, 0))


def _full_spec(shape):
  return pl.BlockSpec(shape, lambda i: tuple(0 for _ in shape))


def kernel(x, edge_index, W1, b1, W2, b2, Wo, bo):
  n, f = x.shape
  e = edge_index.shape[1]
  hid = W1.shape[0]
  out_dim = Wo.shape[0]

  c_chunks = -(-e // (NW * K))
  e_p = c_chunks * NW * K
  pad = e_p - e
  n_p = n if (pad == 0 and n % 8 == 0) else -(-(n + 1) // 8) * 8
  if pad:
    pad_blk = jnp.stack([jnp.full((pad,), n, jnp.int32),
                         jnp.zeros((pad,), jnp.int32)])
    ei_p = jnp.concatenate([edge_index, pad_blk], axis=1)
  else:
    ei_p = edge_index
  z_f = jnp.zeros((n_p, f), jnp.float32)
  z16 = jnp.zeros((n_p, 16), jnp.float32)
  ones16 = jnp.ones((K, 16), jnp.float32)

  deg_k = _make_agg(n_p, 16, c_chunks, "deg")
  agg1 = _make_agg(n_p, f, c_chunks, "feat")
  agg2 = _make_agg(n_p, hid, c_chunks, "feat")

  d0, d1 = deg_k(ones16, ei_p, z16)
  p0, p1 = agg1(x, ei_p, z_f)

  bm = 2000 if n % 2000 == 0 else 1000
  nb = n // bm
  b1r = b1.reshape(1, hid)
  b2r = b2.reshape(1, hid)
  bor = bo.reshape(1, out_dim)
  woa = Wo[:, :hid]
  wob = Wo[:, hid:]
  p0t, p1t = p0[:n], p1[:n]
  d0t, d1t = d0[:n], d1[:n]

  x1 = pl.pallas_call(
      _mm1_body,
      grid=(nb,),
      in_specs=[_row_spec(bm, f), _row_spec(bm, f), _row_spec(bm, f),
                _row_spec(bm, 16), _row_spec(bm, 16),
                _full_spec((hid, f)), _full_spec((1, hid))],
      out_specs=_row_spec(bm, hid),
      out_shape=jax.ShapeDtypeStruct((n, hid), jnp.float32),
  )(p0t, p1t, x, d0t, d1t, W1, b1r)

  q0, q1 = agg2(x1, ei_p, z_f)

  node_repr = pl.pallas_call(
      _mm2_body,
      grid=(nb,),
      in_specs=[_row_spec(bm, hid), _row_spec(bm, hid), _row_spec(bm, hid),
                _row_spec(bm, 16), _row_spec(bm, 16),
                _full_spec((hid, hid)), _full_spec((1, hid)),
                _full_spec((out_dim, hid)), _full_spec((out_dim, hid)),
                _full_spec((1, out_dim))],
      out_specs=_row_spec(bm, out_dim),
      out_shape=jax.ShapeDtypeStruct((n, out_dim), jnp.float32),
  )(q0[:n], q1[:n], x1, d0t, d1t, W2, b2r, woa, wob, bor)

  return node_repr

# --- scband reference (transcript-rebuilt; emitter-appended) ---
"""Pipeline reference for scband-h2-gcnencoder-88304527606668 (READ-ONLY COPY).

The authoritative reference and input builder live on the scoring server;
editing this copy changes nothing except your own understanding.
"""

import jax, jax.numpy as jnp
import numpy as np

N = 10000
E = 320000
IN_DIM = 128
HID = 128
OUT = 128


def setup_inputs(seed: int = 0) -> dict:
    key = jax.random.key(seed)
    ks = jax.random.split(key, 8)
    x = jax.random.normal(ks[0], (N, IN_DIM), dtype=jnp.float32)
    edge_index = jax.random.randint(ks[1], (2, E), 0, N, dtype=jnp.int32)
    W1 = jax.random.normal(ks[2], (HID, IN_DIM), dtype=jnp.float32) * (1.0 / np.sqrt(IN_DIM))
    b1 = jnp.zeros((HID,), dtype=jnp.float32)
    W2 = jax.random.normal(ks[3], (HID, HID), dtype=jnp.float32) * (1.0 / np.sqrt(HID))
    b2 = jnp.zeros((HID,), dtype=jnp.float32)
    Wo = jax.random.normal(ks[4], (OUT, 2 * HID), dtype=jnp.float32) * (1.0 / np.sqrt(2 * HID))
    bo = jnp.zeros((OUT,), dtype=jnp.float32)
    return {"x": x, "edge_index": edge_index, "W1": W1, "b1": b1, "W2": W2, "b2": b2, "Wo": Wo, "bo": bo}


def reference(x, edge_index, W1, b1, W2, b2, Wo, bo):
    n = x.shape[0]
    self_loops = jnp.arange(n, dtype=edge_index.dtype)
    row = jnp.concatenate([edge_index[0], self_loops])
    col = jnp.concatenate([edge_index[1], self_loops])
    deg = jnp.maximum(jnp.bincount(row, length=n).astype(jnp.float32), 1.0)[:, None]
    # 1-hop mean aggregation (with self loops)
    x1 = jnp.zeros_like(x).at[row].add(x[col])
    x1 = x1 / deg
    x1 = jax.nn.relu(x1 @ W1.T + b1)
    # dropout is identity in eval mode
    # 2-hop aggregation on hidden features
    x2 = jnp.zeros_like(x1).at[row].add(x1[col])
    x2 = x2 / deg
    x2 = jax.nn.relu(x2 @ W2.T + b2)
    h = jnp.concatenate([x1, x2], axis=-1)
    node_repr = h @ Wo.T + bo
    return node_repr

if __name__ == "__main__":
    import jax
    _d = setup_inputs()
    print(jax.jit(kernel)(*tuple(_d.values())))

</pallas_src>

<mosaic_0001>
#map = affine_map<(d0, d1) -> (0, 0)>
module attributes {stable_mosaic.version = 14 : i64} {
  func.func @body(%arg0: i32, %arg1: i32, %arg2: memref<10000x128xf32, #tpu.memory_space<hbm>>, %arg3: memref<2x320000xi32, #tpu.memory_space<hbm>>, %arg4: memref<10000x128xf32, #tpu.memory_space<hbm>>, %arg5: memref<10000x128xf32, #tpu.memory_space<hbm>>, %arg6: memref<10000x128xf32, #tpu.memory_space<hbm>>, %arg7: memref<10000xi32, #tpu.memory_space<vmem>>, %arg8: memref<80x128xf32, #tpu.memory_space<vmem>>, %arg9: memref<10000x128xf32, #tpu.memory_space<vmem_shared>>, %arg10: memref<10000xi32, #tpu.memory_space<vmem>>, %arg11: memref<80x128xf32, #tpu.memory_space<vmem>>, %arg12: memref<80x128xf32, #tpu.memory_space<vmem>>, %arg13: memref<!tpu.dma_semaphore, #tpu.memory_space<semaphore_mem>>, %arg14: memref<!tpu.dma_semaphore, #tpu.memory_space<semaphore_mem>>, %arg15: memref<!tpu.dma_semaphore, #tpu.memory_space<semaphore_mem>>) attributes {dimension_semantics = [#tpu.dimension_semantics<core_parallel>, #tpu.dimension_semantics<subcore_parallel>], iteration_bounds = array<i64: 2, 16>, scalar_prefetch = 0 : i64, scratch_operands = 9 : i64, tpu.core_type = #tpu.core_type<sc_vector_subcore>, window_params = [{transform_indices = #map}, {transform_indices = #map}, {transform_indices = #map}, {transform_indices = #map}, {transform_indices = #map}]} {
    %mul3A = arith.constant 2 : i32
    %mul3A_0 = arith.muli %arg1, %mul3A : i32
    %add3A = arith.addi %mul3A_0, %arg0 : i32
    %mul3A_1 = arith.constant 624 : i32
    %mul3A_2 = arith.muli %arg1, %mul3A_1 : i32
    %mul3A_3 = arith.constant 10000 : i32
    %mul3A_4 = arith.muli %add3A, %mul3A_3 : i32
    %run_scoped3A = arith.constant 0 : i32
    "tpu.region"() ({
      %run_scoped3A_74 = tpu.sem_alloc : memref<!tpu.dma_semaphore, #tpu.memory_space<semaphore_mem>>
      %dma_start3A_75 = tpu.memref_slice %arg3[%run_scoped3A, %mul3A_4] : memref<2x320000xi32, #tpu.memory_space<hbm>> -> memref<1x10000xi32, #tpu.memory_space<hbm>>
      %dma_start3A_76 = tpu.memref_squeeze %dma_start3A_75 : memref<1x10000xi32, #tpu.memory_space<hbm>> -> memref<10000xi32, #tpu.memory_space<hbm>>
      %dma_start3A_77 = tpu.memref_slice %arg3[%run_scoped3A, %mul3A_4] : memref<2x320000xi32, #tpu.memory_space<hbm>> -> memref<1x10000xi32, #tpu.memory_space<hbm>>
      %dma_start3A_78 = tpu.memref_squeeze %dma_start3A_77 : memref<1x10000xi32, #tpu.memory_space<hbm>> -> memref<10000xi32, #tpu.memory_space<hbm>>
      tpu.enqueue_dma source(%dma_start3A_78 : memref<10000xi32, #tpu.memory_space<hbm>>) target(%arg7 : memref<10000xi32, #tpu.memory_space<vmem>>) target_semaphore(%run_scoped3A_74 : memref<!tpu.dma_semaphore, #tpu.memory_space<semaphore_mem>>)
      %dma_wait3A_79 = tpu.memref_slice %arg3[%run_scoped3A, %mul3A_4] : memref<2x320000xi32, #tpu.memory_space<hbm>> -> memref<1x10000xi32, #tpu.memory_space<hbm>>
      %dma_wait3A_80 = tpu.memref_squeeze %dma_wait3A_79 : memref<1x10000xi32, #tpu.memory_space<hbm>> -> memref<10000xi32, #tpu.memory_space<hbm>>
      %dma_wait3A_81 = tpu.memref_slice %arg3[%run_scoped3A, %mul3A_4] : memref<2x320000xi32, #tpu.memory_space<hbm>> -> memref<1x10000xi32, #tpu.memory_space<hbm>>
      %dma_wait3A_82 = tpu.memref_squeeze %dma_wait3A_81 : memref<1x10000xi32, #tpu.memory_space<hbm>> -> memref<10000xi32, #tpu.memory_space<hbm>>
      tpu.wait_dma2 semaphore(%run_scoped3A_74 : memref<!tpu.dma_semaphore, #tpu.memory_space<semaphore_mem>>) src(%dma_wait3A_82 : memref<10000xi32, #tpu.memory_space<hbm>>) dst(%arg7 : memref<10000xi32, #tpu.memory_space<vmem>>)
      tpu.yield
    }) : () -> ()
    %mul3A_5 = arith.constant 10000 : i32
    %mul3A_6 = arith.muli %add3A, %mul3A_5 : i32
    %run_scoped3A_7 = arith.constant 1 : i32
    "tpu.region"() ({
      %run_scoped3A_74 = tpu.sem_alloc : memref<!tpu.dma_semaphore, #tpu.memory_space<semaphore_mem>>
      %dma_start3A_75 = tpu.memref_slice %arg3[%run_scoped3A_7, %mul3A_6] : memref<2x320000xi32, #tpu.memory_space<hbm>> -> memref<1x10000xi32, #tpu.memory_space<hbm>>
      %dma_start3A_76 = tpu.memref_squeeze %dma_start3A_75 : memref<1x10000xi32, #tpu.memory_space<hbm>> -> memref<10000xi32, #tpu.memory_space<hbm>>
      %dma_start3A_77 = tpu.memref_slice %arg3[%run_scoped3A_7, %mul3A_6] : memref<2x320000xi32, #tpu.memory_space<hbm>> -> memref<1x10000xi32, #tpu.memory_space<hbm>>
      %dma_start3A_78 = tpu.memref_squeeze %dma_start3A_77 : memref<1x10000xi32, #tpu.memory_space<hbm>> -> memref<10000xi32, #tpu.memory_space<hbm>>
      tpu.enqueue_dma source(%dma_start3A_78 : memref<10000xi32, #tpu.memory_space<hbm>>) target(%arg10 : memref<10000xi32, #tpu.memory_space<vmem>>) target_semaphore(%run_scoped3A_74 : memref<!tpu.dma_semaphore, #tpu.memory_space<semaphore_mem>>)
      %dma_wait3A_79 = tpu.memref_slice %arg3[%run_scoped3A_7, %mul3A_6] : memref<2x320000xi32, #tpu.memory_space<hbm>> -> memref<1x10000xi32, #tpu.memory_space<hbm>>
      %dma_wait3A_80 = tpu.memref_squeeze %dma_wait3A_79 : memref<1x10000xi32, #tpu.memory_space<hbm>> -> memref<10000xi32, #tpu.memory_space<hbm>>
      %dma_wait3A_81 = tpu.memref_slice %arg3[%run_scoped3A_7, %mul3A_6] : memref<2x320000xi32, #tpu.memory_space<hbm>> -> memref<1x10000xi32, #tpu.memory_space<hbm>>
      %dma_wait3A_82 = tpu.memref_squeeze %dma_wait3A_81 : memref<1x10000xi32, #tpu.memory_space<hbm>> -> memref<10000xi32, #tpu.memory_space<hbm>>
      tpu.wait_dma2 semaphore(%run_scoped3A_74 : memref<!tpu.dma_semaphore, #tpu.memory_space<semaphore_mem>>) src(%dma_wait3A_82 : memref<10000xi32, #tpu.memory_space<hbm>>) dst(%arg10 : memref<10000xi32, #tpu.memory_space<vmem>>)
      tpu.yield
    }) : () -> ()
    "tpu.region"() ({
      %run_scoped3A_74 = tpu.sem_alloc : memref<!tpu.dma_semaphore, #tpu.memory_space<semaphore_mem>>
      %dma_start3A_75 = arith.constant 0 : i32
      %dma_start3A_76 = tpu.memref_slice %arg9[%mul3A_2, %dma_start3A_75] : memref<10000x128xf32, #tpu.memory_space<vmem_shared>> -> memref<624x128xf32, #tpu.memory_space<vmem_shared>>
      %dma_start3A_77 = arith.constant 0 : i32
      %dma_start3A_78 = tpu.memref_slice %arg4[%mul3A_2, %dma_start3A_77] : memref<10000x128xf32, #tpu.memory_space<hbm>> -> memref<624x128xf32, #tpu.memory_space<hbm>>
      tpu.enqueue_dma source(%dma_start3A_78 : memref<624x128xf32, #tpu.memory_space<hbm>>) target(%dma_start3A_76 : memref<624x128xf32, #tpu.memory_space<vmem_shared>>) target_semaphore(%run_scoped3A_74 : memref<!tpu.dma_semaphore, #tpu.memory_space<semaphore_mem>>)
      %dma_wait3A_79 = arith.constant 0 : i32
      %dma_wait3A_80 = tpu.memref_slice %arg9[%mul3A_2, %dma_wait3A_79] : memref<10000x128xf32, #tpu.memory_space<vmem_shared>> -> memref<624x128xf32, #tpu.memory_space<vmem_shared>>
      %dma_wait3A_81 = arith.constant 0 : i32
      %dma_wait3A_82 = tpu.memref_slice %arg4[%mul3A_2, %dma_wait3A_81] : memref<10000x128xf32, #tpu.memory_space<hbm>> -> memref<624x128xf32, #tpu.memory_space<hbm>>
      tpu.wait_dma2 semaphore(%run_scoped3A_74 : memref<!tpu.dma_semaphore, #tpu.memory_space<semaphore_mem>>) src(%dma_wait3A_82 : memref<624x128xf32, #tpu.memory_space<hbm>>) dst(%dma_wait3A_80 : memref<624x128xf32, #tpu.memory_space<vmem_shared>>)
      tpu.yield
    }) : () -> ()
    %eq3A = arith.constant 0 : i32
    %eq3A_8 = arith.cmpi eq, %arg1, %eq3A : i32
    %convert_element_type3A = arith.extui %eq3A_8 : i1 to i32
    %cond3A = arith.constant 0 : i32
    %cond3A_9 = arith.cmpi ne, %convert_element_type3A, %cond3A : i32
    scf.if %cond3A_9 {
      "tpu.region"() ({
        %run_scoped3A_74 = tpu.sem_alloc : memref<!tpu.dma_semaphore, #tpu.memory_space<semaphore_mem>>
        %dma_start3A_75 = arith.constant 9984 : i32
        %dma_start3A_76 = arith.constant 0 : i32
        %dma_start3A_77 = tpu.memref_slice %arg9[%dma_start3A_75, %dma_start3A_76] : memref<10000x128xf32, #tpu.memory_space<vmem_shared>> -> memref<16x128xf32, #tpu.memory_space<vmem_shared>>
        %dma_start3A_78 = arith.constant 9984 : i32
        %dma_start3A_79 = arith.constant 0 : i32
        %dma_start3A_80 = tpu.memref_slice %arg4[%dma_start3A_78, %dma_start3A_79] : memref<10000x128xf32, #tpu.memory_space<hbm>> -> memref<16x128xf32, #tpu.memory_space<hbm>>
        tpu.enqueue_dma source(%dma_start3A_80 : memref<16x128xf32, #tpu.memory_space<hbm>>) target(%dma_start3A_77 : memref<16x128xf32, #tpu.memory_space<vmem_shared>>) target_semaphore(%run_scoped3A_74 : memref<!tpu.dma_semaphore, #tpu.memory_space<semaphore_mem>>)
        %dma_wait3A_81 = arith.constant 9984 : i32
        %dma_wait3A_82 = arith.constant 0 : i32
        %dma_wait3A_83 = tpu.memref_slice %arg9[%dma_wait3A_81, %dma_wait3A_82] : memref<10000x128xf32, #tpu.memory_space<vmem_shared>> -> memref<16x128xf32, #tpu.memory_space<vmem_shared>>
        %dma_wait3A_84 = arith.constant 9984 : i32
        %dma_wait3A_85 = arith.constant 0 : i32
        %dma_wait3A_86 = tpu.memref_slice %arg4[%dma_wait3A_84, %dma_wait3A_85] : memref<10000x128xf32, #tpu.memory_space<hbm>> -> memref<16x128xf32, #tpu.memory_space<hbm>>
        tpu.wait_dma2 semaphore(%run_scoped3A_74 : memref<!tpu.dma_semaphore, #tpu.memory_space<semaphore_mem>>) src(%dma_wait3A_86 : memref<16x128xf32, #tpu.memory_space<hbm>>) dst(%dma_wait3A_83 : memref<16x128xf32, #tpu.memory_space<vmem_shared>>)
        tpu.yield
      }) : () -> ()
    } else {
    }
    %barrier3A = arith.constant 0 : index
    tpu.barrier barrier_id(%barrier3A)
    %dma_start3A = arith.constant 0 : i32
    %dma_start3A_10 = tpu.memref_slice %arg10[%dma_start3A] : memref<10000xi32, #tpu.memory_space<vmem>> -> memref<80xi32, #tpu.memory_space<vmem>>
    %dma_start3A_11 = arith.constant 0 : i32
    %dma_start3A_12 = arith.constant 0 : i32
    %dma_start3A_13 = tpu.memref_slice %arg2[%dma_start3A_11, %dma_start3A_12] : memref<10000x128xf32, #tpu.memory_space<hbm>> -> memref<10000x128xf32, #tpu.memory_space<hbm>>
    tpu.enqueue_indirect_dma source(%dma_start3A_13 : memref<10000x128xf32, #tpu.memory_space<hbm>>) target(%arg8 : memref<80x128xf32, #tpu.memory_space<vmem>>) offsets(%dma_start3A_10 : memref<80xi32, #tpu.memory_space<vmem>>) semaphore(%arg13 : memref<!tpu.dma_semaphore, #tpu.memory_space<semaphore_mem>>)
    %dma_start3A_14 = arith.constant 80 : i32
    %dma_start3A_15 = tpu.memref_slice %arg10[%dma_start3A_14] : memref<10000xi32, #tpu.memory_space<vmem>> -> memref<80xi32, #tpu.memory_space<vmem>>
    %dma_start3A_16 = arith.constant 0 : i32
    %dma_start3A_17 = arith.constant 0 : i32
    %dma_start3A_18 = tpu.memref_slice %arg2[%dma_start3A_16, %dma_start3A_17] : memref<10000x128xf32, #tpu.memory_space<hbm>> -> memref<10000x128xf32, #tpu.memory_space<hbm>>
    tpu.enqueue_indirect_dma source(%dma_start3A_18 : memref<10000x128xf32, #tpu.memory_space<hbm>>) target(%arg11 : memref<80x128xf32, #tpu.memory_space<vmem>>) offsets(%dma_start3A_15 : memref<80xi32, #tpu.memory_space<vmem>>) semaphore(%arg14 : memref<!tpu.dma_semaphore, #tpu.memory_space<semaphore_mem>>)
    %dma_start3A_19 = arith.constant 160 : i32
    %dma_start3A_20 = tpu.memref_slice %arg10[%dma_start3A_19] : memref<10000xi32, #tpu.memory_space<vmem>> -> memref<80xi32, #tpu.memory_space<vmem>>
    %dma_start3A_21 = arith.constant 0 : i32
    %dma_start3A_22 = arith.constant 0 : i32
    %dma_start3A_23 = tpu.memref_slice %arg2[%dma_start3A_21, %dma_start3A_22] : memref<10000x128xf32, #tpu.memory_space<hbm>> -> memref<10000x128xf32, #tpu.memory_space<hbm>>
    tpu.enqueue_indirect_dma source(%dma_start3A_23 : memref<10000x128xf32, #tpu.memory_space<hbm>>) target(%arg12 : memref<80x128xf32, #tpu.memory_space<vmem>>) offsets(%dma_start3A_20 : memref<80xi32, #tpu.memory_space<vmem>>) semaphore(%arg15 : memref<!tpu.dma_semaphore, #tpu.memory_space<semaphore_mem>>)
    %scan3A = arith.constant 0 : i32
    %scan3A_24 = arith.constant 0 : i32
    %scan3A_25 = arith.constant 40 : i32
    %scan3A_26 = arith.addi %scan3A_24, %scan3A_25 : i32
    %scan3A_27 = arith.constant 1 : i32
    scf.for %scan3A_74 = %scan3A_24 to %scan3A_26 step %scan3A_27  : i32 {
      %mul3A_75 = arith.constant 3 : i32
      %mul3A_76 = arith.muli %mul3A_75, %scan3A_74 : i32
      %add3A_77 = arith.constant 0 : i32
      %add3A_78 = arith.addi %mul3A_76, %add3A_77 : i32
      %mul3A_79 = arith.constant 80 : i32
      %mul3A_80 = arith.muli %add3A_78, %mul3A_79 : i32
      %dma_wait3A_81 = tpu.memref_slice %arg10[%mul3A_80] : memref<10000xi32, #tpu.memory_space<vmem>> -> memref<80xi32, #tpu.memory_space<vmem>>
      %dma_wait3A_82 = arith.constant 0 : i32
      %dma_wait3A_83 = arith.constant 0 : i32
      %dma_wait3A_84 = tpu.memref_slice %arg2[%dma_wait3A_82, %dma_wait3A_83] : memref<10000x128xf32, #tpu.memory_space<hbm>> -> memref<10000x128xf32, #tpu.memory_space<hbm>>
      tpu.wait_indirect_dma semaphore(%arg13 : memref<!tpu.dma_semaphore, #tpu.memory_space<semaphore_mem>>) src(%dma_wait3A_84 : memref<10000x128xf32, #tpu.memory_space<hbm>>) dst(%arg8 : memref<80x128xf32, #tpu.memory_space<vmem>>)
      %add3A_85 = arith.constant 0 : i32
      %add3A_86 = arith.addi %mul3A_76, %add3A_85 : i32
      %mul3A_87 = arith.constant 80 : i32
      %mul3A_88 = arith.muli %add3A_86, %mul3A_87 : i32
      "tpu.region"() ({
        %run_scoped3A_143 = tpu.sem_alloc : memref<!tpu.dma_semaphore, #tpu.memory_space<semaphore_mem>>
        %dma_start3A_144 = tpu.memref_slice %arg7[%mul3A_88] : memref<10000xi32, #tpu.memory_space<vmem>> -> memref<80xi32, #tpu.memory_space<vmem>>
        %dma_start3A_145 = arith.constant 0 : i32
        %dma_start3A_146 = arith.constant 0 : i32
        %dma_start3A_147 = tpu.memref_slice %arg9[%dma_start3A_145, %dma_start3A_146] : memref<10000x128xf32, #tpu.memory_space<vmem_shared>> -> memref<10000x128xf32, #tpu.memory_space<vmem_shared>>
        tpu.enqueue_indirect_dma source(%arg8 : memref<80x128xf32, #tpu.memory_space<vmem>>) target(%dma_start3A_147 : memref<10000x128xf32, #tpu.memory_space<vmem_shared>>) offsets(%dma_start3A_144 : memref<80xi32, #tpu.memory_space<vmem>>) semaphore(%run_scoped3A_143 : memref<!tpu.dma_semaphore, #tpu.memory_space<semaphore_mem>>) {add = true}
        %dma_wait3A_148 = tpu.memref_slice %arg7[%mul3A_88] : memref<10000xi32, #tpu.memory_space<vmem>> -> memref<80xi32, #tpu.memory_space<vmem>>
        %dma_wait3A_149 = arith.constant 0 : i32
        %dma_wait3A_150 = arith.constant 0 : i32
        %dma_wait3A_151 = tpu.memref_slice %arg9[%dma_wait3A_149, %dma_wait3A_150] : memref<10000x128xf32, #tpu.memory_space<vmem_shared>> -> memref<10000x128xf32, #tpu.memory_space<vmem_shared>>
        tpu.wait_indirect_dma semaphore(%run_scoped3A_143 : memref<!tpu.dma_semaphore, #tpu.memory_space<semaphore_mem>>) src(%arg8 : memref<80x128xf32, #tpu.memory_space<vmem>>) dst(%dma_wait3A_151 : memref<10000x128xf32, #tpu.memory_space<vmem_shared>>)
        tpu.yield
      }) : () -> ()
      %add3A_89 = arith.constant 3 : i32
      %add3A_90 = arith.addi %mul3A_76, %add3A_89 : i32
      %add3A_91 = arith.constant 0 : i32
      %add3A_92 = arith.addi %add3A_90, %add3A_91 : i32
      %mul3A_93 = arith.constant 80 : i32
      %mul3A_94 = arith.muli %add3A_92, %mul3A_93 : i32
      %dma_start3A_95 = tpu.memref_slice %arg10[%mul3A_94] : memref<10000xi32, #tpu.memory_space<vmem>> -> memref<80xi32, #tpu.memory_space<vmem>>
      %dma_start3A_96 = arith.constant 0 : i32
      %dma_start3A_97 = arith.constant 0 : i32
      %dma_start3A_98 = tpu.memref_slice %arg2[%dma_start3A_96, %dma_start3A_97] : memref<10000x128xf32, #tpu.memory_space<hbm>> -> memref<10000x128xf32, #tpu.memory_space<hbm>>
      tpu.enqueue_indirect_dma source(%dma_start3A_98 : memref<10000x128xf32, #tpu.memory_space<hbm>>) target(%arg8 : memref<80x128xf32, #tpu.memory_space<vmem>>) offsets(%dma_start3A_95 : memref<80xi32, #tpu.memory_space<vmem>>) semaphore(%arg13 : memref<!tpu.dma_semaphore, #tpu.memory_space<semaphore_mem>>)
      %add3A_99 = arith.constant 1 : i32
      %add3A_100 = arith.addi %mul3A_76, %add3A_99 : i32
      %mul3A_101 = arith.constant 80 : i32
      %mul3A_102 = arith.muli %add3A_100, %mul3A_101 : i32
      %dma_wait3A_103 = tpu.memref_slice %arg10[%mul3A_102] : memref<10000xi32, #tpu.memory_space<vmem>> -> memref<80xi32, #tpu.memory_space<vmem>>
      %dma_wait3A_104 = arith.constant 0 : i32
      %dma_wait3A_105 = arith.constant 0 : i32
      %dma_wait3A_106 = tpu.memref_slice %arg2[%dma_wait3A_104, %dma_wait3A_105] : memref<10000x128xf32, #tpu.memory_space<hbm>> -> memref<10000x128xf32, #tpu.memory_space<hbm>>
      tpu.wait_indirect_dma semaphore(%arg14 : memref<!tpu.dma_semaphore, #tpu.memory_space<semaphore_mem>>) src(%dma_wait3A_106 : memref<10000x128xf32, #tpu.memory_space<hbm>>) dst(%arg11 : memref<80x128xf32, #tpu.memory_space<vmem>>)
      %add3A_107 = arith.constant 1 : i32
      %add3A_108 = arith.addi %mul3A_76, %add3A_107 : i32
      %mul3A_109 = arith.constant 80 : i32
      %mul3A_110 = arith.muli %add3A_108, %mul3A_109 : i32
      "tpu.region"() ({
        %run_scoped3A_143 = tpu.sem_alloc : memref<!tpu.dma_semaphore, #tpu.memory_space<semaphore_mem>>
        %dma_start3A_144 = tpu.memref_slice %arg7[%mul3A_110] : memref<10000xi32, #tpu.memory_space<vmem>> -> memref<80xi32, #tpu.memory_space<vmem>>
        %dma_start3A_145 = arith.constant 0 : i32
        %dma_start3A_146 = arith.constant 0 : i32
        %dma_start3A_147 = tpu.memref_slice %arg9[%dma_start3A_145, %dma_start3A_146] : memref<10000x128xf32, #tpu.memory_space<vmem_shared>> -> memref<10000x128xf32, #tpu.memory_space<vmem_shared>>
        tpu.enqueue_indirect_dma source(%arg11 : memref<80x128xf32, #tpu.memory_space<vmem>>) target(%dma_start3A_147 : memref<10000x128xf32, #tpu.memory_space<vmem_shared>>) offsets(%dma_start3A_144 : memref<80xi32, #tpu.memory_space<vmem>>) semaphore(%run_scoped3A_143 : memref<!tpu.dma_semaphore, #tpu.memory_space<semaphore_mem>>) {add = true}
        %dma_wait3A_148 = tpu.memref_slice %arg7[%mul3A_110] : memref<10000xi32, #tpu.memory_space<vmem>> -> memref<80xi32, #tpu.memory_space<vmem>>
        %dma_wait3A_149 = arith.constant 0 : i32
        %dma_wait3A_150 = arith.constant 0 : i32
        %dma_wait3A_151 = tpu.memref_slice %arg9[%dma_wait3A_149, %dma_wait3A_150] : memref<10000x128xf32, #tpu.memory_space<vmem_shared>> -> memref<10000x128xf32, #tpu.memory_space<vmem_shared>>
        tpu.wait_indirect_dma semaphore(%run_scoped3A_143 : memref<!tpu.dma_semaphore, #tpu.memory_space<semaphore_mem>>) src(%arg11 : memref<80x128xf32, #tpu.memory_space<vmem>>) dst(%dma_wait3A_151 : memref<10000x128xf32, #tpu.memory_space<vmem_shared>>)
        tpu.yield
      }) : () -> ()
      %add3A_111 = arith.constant 3 : i32
      %add3A_112 = arith.addi %mul3A_76, %add3A_111 : i32
      %add3A_113 = arith.constant 1 : i32
      %add3A_114 = arith.addi %add3A_112, %add3A_113 : i32
      %mul3A_115 = arith.constant 80 : i32
      %mul3A_116 = arith.muli %add3A_114, %mul3A_115 : i32
      %dma_start3A_117 = tpu.memref_slice %arg10[%mul3A_116] : memref<10000xi32, #tpu.memory_space<vmem>> -> memref<80xi32, #tpu.memory_space<vmem>>
      %dma_start3A_118 = arith.constant 0 : i32
      %dma_start3A_119 = arith.constant 0 : i32
      %dma_start3A_120 = tpu.memref_slice %arg2[%dma_start3A_118, %dma_start3A_119] : memref<10000x128xf32, #tpu.memory_space<hbm>> -> memref<10000x128xf32, #tpu.memory_space<hbm>>
      tpu.enqueue_indirect_dma source(%dma_start3A_120 : memref<10000x128xf32, #tpu.memory_space<hbm>>) target(%arg11 : memref<80x128xf32, #tpu.memory_space<vmem>>) offsets(%dma_start3A_117 : memref<80xi32, #tpu.memory_space<vmem>>) semaphore(%arg14 : memref<!tpu.dma_semaphore, #tpu.memory_space<semaphore_mem>>)
      %add3A_121 = arith.constant 2 : i32
      %add3A_122 = arith.addi %mul3A_76, %add3A_121 : i32
      %mul3A_123 = arith.constant 80 : i32
      %mul3A_124 = arith.muli %add3A_122, %mul3A_123 : i32
      %dma_wait3A_125 = tpu.memref_slice %arg10[%mul3A_124] : memref<10000xi32, #tpu.memory_space<vmem>> -> memref<80xi32, #tpu.memory_space<vmem>>
      %dma_wait3A_126 = arith.constant 0 : i32
      %dma_wait3A_127 = arith.constant 0 : i32
      %dma_wait3A_128 = tpu.memref_slice %arg2[%dma_wait3A_126, %dma_wait3A_127] : memref<10000x128xf32, #tpu.memory_space<hbm>> -> memref<10000x128xf32, #tpu.memory_space<hbm>>
      tpu.wait_indirect_dma semaphore(%arg15 : memref<!tpu.dma_semaphore, #tpu.memory_space<semaphore_mem>>) src(%dma_wait3A_128 : memref<10000x128xf32, #tpu.memory_space<hbm>>) dst(%arg12 : memref<80x128xf32, #tpu.memory_space<vmem>>)
      %add3A_129 = arith.constant 2 : i32
      %add3A_130 = arith.addi %mul3A_76, %add3A_129 : i32
      %mul3A_131 = arith.constant 80 : i32
      %mul3A_132 = arith.muli %add3A_130, %mul3A_131 : i32
      "tpu.region"() ({
        %run_scoped3A_143 = tpu.sem_alloc : memref<!tpu.dma_semaphore, #tpu.memory_space<semaphore_mem>>
        %dma_start3A_144 = tpu.memref_slice %arg7[%mul3A_132] : memref<10000xi32, #tpu.memory_space<vmem>> -> memref<80xi32, #tpu.memory_space<vmem>>
        %dma_start3A_145 = arith.constant 0 : i32
        %dma_start3A_146 = arith.constant 0 : i32
        %dma_start3A_147 = tpu.memref_slice %arg9[%dma_start3A_145, %dma_start3A_146] : memref<10000x128xf32, #tpu.memory_space<vmem_shared>> -> memref<10000x128xf32, #tpu.memory_space<vmem_shared>>
        tpu.enqueue_indirect_dma source(%arg12 : memref<80x128xf32, #tpu.memory_space<vmem>>) target(%dma_start3A_147 : memref<10000x128xf32, #tpu.memory_space<vmem_shared>>) offsets(%dma_start3A_144 : memref<80xi32, #tpu.memory_space<vmem>>) semaphore(%run_scoped3A_143 : memref<!tpu.dma_semaphore, #tpu.memory_space<semaphore_mem>>) {add = true}
        %dma_wait3A_148 = tpu.memref_slice %arg7[%mul3A_132] : memref<10000xi32, #tpu.memory_space<vmem>> -> memref<80xi32, #tpu.memory_space<vmem>>
        %dma_wait3A_149 = arith.constant 0 : i32
        %dma_wait3A_150 = arith.constant 0 : i32
        %dma_wait3A_151 = tpu.memref_slice %arg9[%dma_wait3A_149, %dma_wait3A_150] : memref<10000x128xf32, #tpu.memory_space<vmem_shared>> -> memref<10000x128xf32, #tpu.memory_space<vmem_shared>>
        tpu.wait_indirect_dma semaphore(%run_scoped3A_143 : memref<!tpu.dma_semaphore, #tpu.memory_space<semaphore_mem>>) src(%arg12 : memref<80x128xf32, #tpu.memory_space<vmem>>) dst(%dma_wait3A_151 : memref<10000x128xf32, #tpu.memory_space<vmem_shared>>)
        tpu.yield
      }) : () -> ()
      %add3A_133 = arith.constant 3 : i32
      %add3A_134 = arith.addi %mul3A_76, %add3A_133 : i32
      %add3A_135 = arith.constant 2 : i32
      %add3A_136 = arith.addi %add3A_134, %add3A_135 : i32
      %mul3A_137 = arith.constant 80 : i32
      %mul3A_138 = arith.muli %add3A_136, %mul3A_137 : i32
      %dma_start3A_139 = tpu.memref_slice %arg10[%mul3A_138] : memref<10000xi32, #tpu.memory_space<vmem>> -> memref<80xi32, #tpu.memory_space<vmem>>
      %dma_start3A_140 = arith.constant 0 : i32
      %dma_start3A_141 = arith.constant 0 : i32
      %dma_start3A_142 = tpu.memref_slice %arg2[%dma_start3A_140, %dma_start3A_141] : memref<10000x128xf32, #tpu.memory_space<hbm>> -> memref<10000x128xf32, #tpu.memory_space<hbm>>
      tpu.enqueue_indirect_dma source(%dma_start3A_142 : memref<10000x128xf32, #tpu.memory_space<hbm>>) target(%arg12 : memref<80x128xf32, #tpu.memory_space<vmem>>) offsets(%dma_start3A_139 : memref<80xi32, #tpu.memory_space<vmem>>) semaphore(%arg15 : memref<!tpu.dma_semaphore, #tpu.memory_space<semaphore_mem>>)
    }
    %scan3A_28 = arith.constant 40 : i32
    %dma_wait3A = arith.constant 9600 : i32
    %dma_wait3A_29 = tpu.memref_slice %arg10[%dma_wait3A] : memref<10000xi32, #tpu.memory_space<vmem>> -> memref<80xi32, #tpu.memory_space<vmem>>
    %dma_wait3A_30 = arith.constant 0 : i32
    %dma_wait3A_31 = arith.constant 0 : i32
    %dma_wait3A_32 = tpu.memref_slice %arg2[%dma_wait3A_30, %dma_wait3A_31] : memref<10000x128xf32, #tpu.memory_space<hbm>> -> memref<10000x128xf32, #tpu.memory_space<hbm>>
    tpu.wait_indirect_dma semaphore(%arg13 : memref<!tpu.dma_semaphore, #tpu.memory_space<semaphore_mem>>) src(%dma_wait3A_32 : memref<10000x128xf32, #tpu.memory_space<hbm>>) dst(%arg8 : memref<80x128xf32, #tpu.memory_space<vmem>>)
    "tpu.region"() ({
      %run_scoped3A_74 = tpu.sem_alloc : memref<!tpu.dma_semaphore, #tpu.memory_space<semaphore_mem>>
      %dma_start3A_75 = arith.constant 9600 : i32
      %dma_start3A_76 = tpu.memref_slice %arg7[%dma_start3A_75] : memref<10000xi32, #tpu.memory_space<vmem>> -> memref<80xi32, #tpu.memory_space<vmem>>
      %dma_start3A_77 = arith.constant 0 : i32
      %dma_start3A_78 = arith.constant 0 : i32
      %dma_start3A_79 = tpu.memref_slice %arg9[%dma_start3A_77, %dma_start3A_78] : memref<10000x128xf32, #tpu.memory_space<vmem_shared>> -> memref<10000x128xf32, #tpu.memory_space<vmem_shared>>
      tpu.enqueue_indirect_dma source(%arg8 : memref<80x128xf32, #tpu.memory_space<vmem>>) target(%dma_start3A_79 : memref<10000x128xf32, #tpu.memory_space<vmem_shared>>) offsets(%dma_start3A_76 : memref<80xi32, #tpu.memory_space<vmem>>) semaphore(%run_scoped3A_74 : memref<!tpu.dma_semaphore, #tpu.memory_space<semaphore_mem>>) {add = true}
      %dma_wait3A_80 = arith.constant 9600 : i32
      %dma_wait3A_81 = tpu.memref_slice %arg7[%dma_wait3A_80] : memref<10000xi32, #tpu.memory_space<vmem>> -> memref<80xi32, #tpu.memory_space<vmem>>
      %dma_wait3A_82 = arith.constant 0 : i32
      %dma_wait3A_83 = arith.constant 0 : i32
      %dma_wait3A_84 = tpu.memref_slice %arg9[%dma_wait3A_82, %dma_wait3A_83] : memref<10000x128xf32, #tpu.memory_space<vmem_shared>> -> memref<10000x128xf32, #tpu.memory_space<vmem_shared>>
      tpu.wait_indirect_dma semaphore(%run_scoped3A_74 : memref<!tpu.dma_semaphore, #tpu.memory_space<semaphore_mem>>) src(%arg8 : memref<80x128xf32, #tpu.memory_space<vmem>>) dst(%dma_wait3A_84 : memref<10000x128xf32, #tpu.memory_space<vmem_shared>>)
      tpu.yield
    }) : () -> ()
    %dma_start3A_33 = arith.constant 9840 : i32
    %dma_start3A_34 = tpu.memref_slice %arg10[%dma_start3A_33] : memref<10000xi32, #tpu.memory_space<vmem>> -> memref<80xi32, #tpu.memory_space<vmem>>
    %dma_start3A_35 = arith.constant 0 : i32
    %dma_start3A_36 = arith.constant 0 : i32
    %dma_start3A_37 = tpu.memref_slice %arg2[%dma_start3A_35, %dma_start3A_36] : memref<10000x128xf32, #tpu.memory_space<hbm>> -> memref<10000x128xf32, #tpu.memory_space<hbm>>
    tpu.enqueue_indirect_dma source(%dma_start3A_37 : memref<10000x128xf32, #tpu.memory_space<hbm>>) target(%arg8 : memref<80x128xf32, #tpu.memory_space<vmem>>) offsets(%dma_start3A_34 : memref<80xi32, #tpu.memory_space<vmem>>) semaphore(%arg13 : memref<!tpu.dma_semaphore, #tpu.memory_space<semaphore_mem>>)
    %dma_wait3A_38 = arith.constant 9680 : i32
    %dma_wait3A_39 = tpu.memref_slice %arg10[%dma_wait3A_38] : memref<10000xi32, #tpu.memory_space<vmem>> -> memref<80xi32, #tpu.memory_space<vmem>>
    %dma_wait3A_40 = arith.constant 0 : i32
    %dma_wait3A_41 = arith.constant 0 : i32
    %dma_wait3A_42 = tpu.memref_slice %arg2[%dma_wait3A_40, %dma_wait3A_41] : memref<10000x128xf32, #tpu.memory_space<hbm>> -> memref<10000x128xf32, #tpu.memory_space<hbm>>
    tpu.wait_indirect_dma semaphore(%arg14 : memref<!tpu.dma_semaphore, #tpu.memory_space<semaphore_mem>>) src(%dma_wait3A_42 : memref<10000x128xf32, #tpu.memory_space<hbm>>) dst(%arg11 : memref<80x128xf32, #tpu.memory_space<vmem>>)
    "tpu.region"() ({
      %run_scoped3A_74 = tpu.sem_alloc : memref<!tpu.dma_semaphore, #tpu.memory_space<semaphore_mem>>
      %dma_start3A_75 = arith.constant 9680 : i32
      %dma_start3A_76 = tpu.memref_slice %arg7[%dma_start3A_75] : memref<10000xi32, #tpu.memory_space<vmem>> -> memref<80xi32, #tpu.memory_space<vmem>>
      %dma_start3A_77 = arith.constant 0 : i32
      %dma_start3A_78 = arith.constant 0 : i32
      %dma_start3A_79 = tpu.memref_slice %arg9[%dma_start3A_77, %dma_start3A_78] : memref<10000x128xf32, #tpu.memory_space<vmem_shared>> -> memref<10000x128xf32, #tpu.memory_space<vmem_shared>>
      tpu.enqueue_indirect_dma source(%arg11 : memref<80x128xf32, #tpu.memory_space<vmem>>) target(%dma_start3A_79 : memref<10000x128xf32, #tpu.memory_space<vmem_shared>>) offsets(%dma_start3A_76 : memref<80xi32, #tpu.memory_space<vmem>>) semaphore(%run_scoped3A_74 : memref<!tpu.dma_semaphore, #tpu.memory_space<semaphore_mem>>) {add = true}
      %dma_wait3A_80 = arith.constant 9680 : i32
      %dma_wait3A_81 = tpu.memref_slice %arg7[%dma_wait3A_80] : memref<10000xi32, #tpu.memory_space<vmem>> -> memref<80xi32, #tpu.memory_space<vmem>>
      %dma_wait3A_82 = arith.constant 0 : i32
      %dma_wait3A_83 = arith.constant 0 : i32
      %dma_wait3A_84 = tpu.memref_slice %arg9[%dma_wait3A_82, %dma_wait3A_83] : memref<10000x128xf32, #tpu.memory_space<vmem_shared>> -> memref<10000x128xf32, #tpu.memory_space<vmem_shared>>
      tpu.wait_indirect_dma semaphore(%run_scoped3A_74 : memref<!tpu.dma_semaphore, #tpu.memory_space<semaphore_mem>>) src(%arg11 : memref<80x128xf32, #tpu.memory_space<vmem>>) dst(%dma_wait3A_84 : memref<10000x128xf32, #tpu.memory_space<vmem_shared>>)
      tpu.yield
    }) : () -> ()
    %dma_start3A_43 = arith.constant 9920 : i32
    %dma_start3A_44 = tpu.memref_slice %arg10[%dma_start3A_43] : memref<10000xi32, #tpu.memory_space<vmem>> -> memref<80xi32, #tpu.memory_space<vmem>>
    %dma_start3A_45 = arith.constant 0 : i32
    %dma_start3A_46 = arith.constant 0 : i32
    %dma_start3A_47 = tpu.memref_slice %arg2[%dma_start3A_45, %dma_start3A_46] : memref<10000x128xf32, #tpu.memory_space<hbm>> -> memref<10000x128xf32, #tpu.memory_space<hbm>>
    tpu.enqueue_indirect_dma source(%dma_start3A_47 : memref<10000x128xf32, #tpu.memory_space<hbm>>) target(%arg11 : memref<80x128xf32, #tpu.memory_space<vmem>>) offsets(%dma_start3A_44 : memref<80xi32, #tpu.memory_space<vmem>>) semaphore(%arg14 : memref<!tpu.dma_semaphore, #tpu.memory_space<semaphore_mem>>)
    %dma_wait3A_48 = arith.constant 9760 : i32
    %dma_wait3A_49 = tpu.memref_slice %arg10[%dma_wait3A_48] : memref<10000xi32, #tpu.memory_space<vmem>> -> memref<80xi32, #tpu.memory_space<vmem>>
    %dma_wait3A_50 = arith.constant 0 : i32
    %dma_wait3A_51 = arith.constant 0 : i32
    %dma_wait3A_52 = tpu.memref_slice %arg2[%dma_wait3A_50, %dma_wait3A_51] : memref<10000x128xf32, #tpu.memory_space<hbm>> -> memref<10000x128xf32, #tpu.memory_space<hbm>>
    tpu.wait_indirect_dma semaphore(%arg15 : memref<!tpu.dma_semaphore, #tpu.memory_space<semaphore_mem>>) src(%dma_wait3A_52 : memref<10000x128xf32, #tpu.memory_space<hbm>>) dst(%arg12 : memref<80x128xf32, #tpu.memory_space<vmem>>)
    "tpu.region"() ({
      %run_scoped3A_74 = tpu.sem_alloc : memref<!tpu.dma_semaphore, #tpu.memory_space<semaphore_mem>>
      %dma_start3A_75 = arith.constant 9760 : i32
      %dma_start3A_76 = tpu.memref_slice %arg7[%dma_start3A_75] : memref<10000xi32, #tpu.memory_space<vmem>> -> memref<80xi32, #tpu.memory_space<vmem>>
      %dma_start3A_77 = arith.constant 0 : i32
      %dma_start3A_78 = arith.constant 0 : i32
      %dma_start3A_79 = tpu.memref_slice %arg9[%dma_start3A_77, %dma_start3A_78] : memref<10000x128xf32, #tpu.memory_space<vmem_shared>> -> memref<10000x128xf32, #tpu.memory_space<vmem_shared>>
      tpu.enqueue_indirect_dma source(%arg12 : memref<80x128xf32, #tpu.memory_space<vmem>>) target(%dma_start3A_79 : memref<10000x128xf32, #tpu.memory_space<vmem_shared>>) offsets(%dma_start3A_76 : memref<80xi32, #tpu.memory_space<vmem>>) semaphore(%run_scoped3A_74 : memref<!tpu.dma_semaphore, #tpu.memory_space<semaphore_mem>>) {add = true}
      %dma_wait3A_80 = arith.constant 9760 : i32
      %dma_wait3A_81 = tpu.memref_slice %arg7[%dma_wait3A_80] : memref<10000xi32, #tpu.memory_space<vmem>> -> memref<80xi32, #tpu.memory_space<vmem>>
      %dma_wait3A_82 = arith.constant 0 : i32
      %dma_wait3A_83 = arith.constant 0 : i32
      %dma_wait3A_84 = tpu.memref_slice %arg9[%dma_wait3A_82, %dma_wait3A_83] : memref<10000x128xf32, #tpu.memory_space<vmem_shared>> -> memref<10000x128xf32, #tpu.memory_space<vmem_shared>>
      tpu.wait_indirect_dma semaphore(%run_scoped3A_74 : memref<!tpu.dma_semaphore, #tpu.memory_space<semaphore_mem>>) src(%arg12 : memref<80x128xf32, #tpu.memory_space<vmem>>) dst(%dma_wait3A_84 : memref<10000x128xf32, #tpu.memory_space<vmem_shared>>)
      tpu.yield
    }) : () -> ()
    %dma_wait3A_53 = arith.constant 9840 : i32
    %dma_wait3A_54 = tpu.memref_slice %arg10[%dma_wait3A_53] : memref<10000xi32, #tpu.memory_space<vmem>> -> memref<80xi32, #tpu.memory_space<vmem>>
    %dma_wait3A_55 = arith.constant 0 : i32
    %dma_wait3A_56 = arith.constant 0 : i32
    %dma_wait3A_57 = tpu.memref_slice %arg2[%dma_wait3A_55, %dma_wait3A_56] : memref<10000x128xf32, #tpu.memory_space<hbm>> -> memref<10000x128xf32, #tpu.memory_space<hbm>>
    tpu.wait_indirect_dma semaphore(%arg13 : memref<!tpu.dma_semaphore, #tpu.memory_space<semaphore_mem>>) src(%dma_wait3A_57 : memref<10000x128xf32, #tpu.memory_space<hbm>>) dst(%arg8 : memref<80x128xf32, #tpu.memory_space<vmem>>)
    "tpu.region"() ({
      %run_scoped3A_74 = tpu.sem_alloc : memref<!tpu.dma_semaphore, #tpu.memory_space<semaphore_mem>>
      %dma_start3A_75 = arith.constant 9840 : i32
      %dma_start3A_76 = tpu.memref_slice %arg7[%dma_start3A_75] : memref<10000xi32, #tpu.memory_space<vmem>> -> memref<80xi32, #tpu.memory_space<vmem>>
      %dma_start3A_77 = arith.constant 0 : i32
      %dma_start3A_78 = arith.constant 0 : i32
      %dma_start3A_79 = tpu.memref_slice %arg9[%dma_start3A_77, %dma_start3A_78] : memref<10000x128xf32, #tpu.memory_space<vmem_shared>> -> memref<10000x128xf32, #tpu.memory_space<vmem_shared>>
      tpu.enqueue_indirect_dma source(%arg8 : memref<80x128xf32, #tpu.memory_space<vmem>>) target(%dma_start3A_79 : memref<10000x128xf32, #tpu.memory_space<vmem_shared>>) offsets(%dma_start3A_76 : memref<80xi32, #tpu.memory_space<vmem>>) semaphore(%run_scoped3A_74 : memref<!tpu.dma_semaphore, #tpu.memory_space<semaphore_mem>>) {add = true}
      %dma_wait3A_80 = arith.constant 9840 : i32
      %dma_wait3A_81 = tpu.memref_slice %arg7[%dma_wait3A_80] : memref<10000xi32, #tpu.memory_space<vmem>> -> memref<80xi32, #tpu.memory_space<vmem>>
      %dma_wait3A_82 = arith.constant 0 : i32
      %dma_wait3A_83 = arith.constant 0 : i32
      %dma_wait3A_84 = tpu.memref_slice %arg9[%dma_wait3A_82, %dma_wait3A_83] : memref<10000x128xf32, #tpu.memory_space<vmem_shared>> -> memref<10000x128xf32, #tpu.memory_space<vmem_shared>>
      tpu.wait_indirect_dma semaphore(%run_scoped3A_74 : memref<!tpu.dma_semaphore, #tpu.memory_space<semaphore_mem>>) src(%arg8 : memref<80x128xf32, #tpu.memory_space<vmem>>) dst(%dma_wait3A_84 : memref<10000x128xf32, #tpu.memory_space<vmem_shared>>)
      tpu.yield
    }) : () -> ()
    %dma_wait3A_58 = arith.constant 9920 : i32
    %dma_wait3A_59 = tpu.memref_slice %arg10[%dma_wait3A_58] : memref<10000xi32, #tpu.memory_space<vmem>> -> memref<80xi32, #tpu.memory_space<vmem>>
    %dma_wait3A_60 = arith.constant 0 : i32
    %dma_wait3A_61 = arith.constant 0 : i32
    %dma_wait3A_62 = tpu.memref_slice %arg2[%dma_wait3A_60, %dma_wait3A_61] : memref<10000x128xf32, #tpu.memory_space<hbm>> -> memref<10000x128xf32, #tpu.memory_space<hbm>>
    tpu.wait_indirect_dma semaphore(%arg14 : memref<!tpu.dma_semaphore, #tpu.memory_space<semaphore_mem>>) src(%dma_wait3A_62 : memref<10000x128xf32, #tpu.memory_space<hbm>>) dst(%arg11 : memref<80x128xf32, #tpu.memory_space<vmem>>)
    "tpu.region"() ({
      %run_scoped3A_74 = tpu.sem_alloc : memref<!tpu.dma_semaphore, #tpu.memory_space<semaphore_mem>>
      %dma_start3A_75 = arith.constant 9920 : i32
      %dma_start3A_76 = tpu.memref_slice %arg7[%dma_start3A_75] : memref<10000xi32, #tpu.memory_space<vmem>> -> memref<80xi32, #tpu.memory_space<vmem>>
      %dma_start3A_77 = arith.constant 0 : i32
      %dma_start3A_78 = arith.constant 0 : i32
      %dma_start3A_79 = tpu.memref_slice %arg9[%dma_start3A_77, %dma_start3A_78] : memref<10000x128xf32, #tpu.memory_space<vmem_shared>> -> memref<10000x128xf32, #tpu.memory_space<vmem_shared>>
      tpu.enqueue_indirect_dma source(%arg11 : memref<80x128xf32, #tpu.memory_space<vmem>>) target(%dma_start3A_79 : memref<10000x128xf32, #tpu.memory_space<vmem_shared>>) offsets(%dma_start3A_76 : memref<80xi32, #tpu.memory_space<vmem>>) semaphore(%run_scoped3A_74 : memref<!tpu.dma_semaphore, #tpu.memory_space<semaphore_mem>>) {add = true}
      %dma_wait3A_80 = arith.constant 9920 : i32
      %dma_wait3A_81 = tpu.memref_slice %arg7[%dma_wait3A_80] : memref<10000xi32, #tpu.memory_space<vmem>> -> memref<80xi32, #tpu.memory_space<vmem>>
      %dma_wait3A_82 = arith.constant 0 : i32
      %dma_wait3A_83 = arith.constant 0 : i32
      %dma_wait3A_84 = tpu.memref_slice %arg9[%dma_wait3A_82, %dma_wait3A_83] : memref<10000x128xf32, #tpu.memory_space<vmem_shared>> -> memref<10000x128xf32, #tpu.memory_space<vmem_shared>>
      tpu.wait_indirect_dma semaphore(%run_scoped3A_74 : memref<!tpu.dma_semaphore, #tpu.memory_space<semaphore_mem>>) src(%arg11 : memref<80x128xf32, #tpu.memory_space<vmem>>) dst(%dma_wait3A_84 : memref<10000x128xf32, #tpu.memory_space<vmem_shared>>)
      tpu.yield
    }) : () -> ()
    %barrier3A_63 = arith.constant 0 : index
    tpu.barrier barrier_id(%barrier3A_63)
    %eq3A_64 = arith.constant 0 : i32
    %eq3A_65 = arith.cmpi eq, %arg0, %eq3A_64 : i32
    %convert_element_type3A_66 = arith.extui %eq3A_65 : i1 to i32
    %cond3A_67 = arith.constant 0 : i32
    %cond3A_68 = arith.cmpi ne, %convert_element_type3A_66, %cond3A_67 : i32
    scf.if %cond3A_68 {
      "tpu.region"() ({
        %run_scoped3A_79 = tpu.sem_alloc : memref<!tpu.dma_semaphore, #tpu.memory_space<semaphore_mem>>
        %dma_start3A_80 = arith.constant 0 : i32
        %dma_start3A_81 = tpu.memref_slice %arg5[%mul3A_2, %dma_start3A_80] : memref<10000x128xf32, #tpu.memory_space<hbm>> -> memref<624x128xf32, #tpu.memory_space<hbm>>
        %dma_start3A_82 = arith.constant 0 : i32
        %dma_start3A_83 = tpu.memref_slice %arg9[%mul3A_2, %dma_start3A_82] : memref<10000x128xf32, #tpu.memory_space<vmem_shared>> -> memref<624x128xf32, #tpu.memory_space<vmem_shared>>
        tpu.enqueue_dma source(%dma_start3A_83 : memref<624x128xf32, #tpu.memory_space<vmem_shared>>) target(%dma_start3A_81 : memref<624x128xf32, #tpu.memory_space<hbm>>) target_semaphore(%run_scoped3A_79 : memref<!tpu.dma_semaphore, #tpu.memory_space<semaphore_mem>>)
        %dma_wait3A_84 = arith.constant 0 : i32
        %dma_wait3A_85 = tpu.memref_slice %arg5[%mul3A_2, %dma_wait3A_84] : memref<10000x128xf32, #tpu.memory_space<hbm>> -> memref<624x128xf32, #tpu.memory_space<hbm>>
        %dma_wait3A_86 = arith.constant 0 : i32
        %dma_wait3A_87 = tpu.memref_slice %arg9[%mul3A_2, %dma_wait3A_86] : memref<10000x128xf32, #tpu.memory_space<vmem_shared>> -> memref<624x128xf32, #tpu.memory_space<vmem_shared>>
        tpu.wait_dma2 semaphore(%run_scoped3A_79 : memref<!tpu.dma_semaphore, #tpu.memory_space<semaphore_mem>>) src(%dma_wait3A_87 : memref<624x128xf32, #tpu.memory_space<vmem_shared>>) dst(%dma_wait3A_85 : memref<624x128xf32, #tpu.memory_space<hbm>>)
        tpu.yield
      }) : () -> ()
      %eq3A_74 = arith.constant 0 : i32
      %eq3A_75 = arith.cmpi eq, %arg1, %eq3A_74 : i32
      %convert_element_type3A_76 = arith.extui %eq3A_75 : i1 to i32
      %cond3A_77 = arith.constant 0 : i32
      %cond3A_78 = arith.cmpi ne, %convert_element_type3A_76, %cond3A_77 : i32
      scf.if %cond3A_78 {
        "tpu.region"() ({
          %run_scoped3A_79 = tpu.sem_alloc : memref<!tpu.dma_semaphore, #tpu.memory_space<semaphore_mem>>
          %dma_start3A_80 = arith.constant 9984 : i32
          %dma_start3A_81 = arith.constant 0 : i32
          %dma_start3A_82 = tpu.memref_slice %arg5[%dma_start3A_80, %dma_start3A_81] : memref<10000x128xf32, #tpu.memory_space<hbm>> -> memref<16x128xf32, #tpu.memory_space<hbm>>
          %dma_start3A_83 = arith.constant 9984 : i32
          %dma_start3A_84 = arith.constant 0 : i32
          %dma_start3A_85 = tpu.memref_slice %arg9[%dma_start3A_83, %dma_start3A_84] : memref<10000x128xf32, #tpu.memory_space<vmem_shared>> -> memref<16x128xf32, #tpu.memory_space<vmem_shared>>
          tpu.enqueue_dma source(%dma_start3A_85 : memref<16x128xf32, #tpu.memory_space<vmem_shared>>) target(%dma_start3A_82 : memref<16x128xf32, #tpu.memory_space<hbm>>) target_semaphore(%run_scoped3A_79 : memref<!tpu.dma_semaphore, #tpu.memory_space<semaphore_mem>>)
          %dma_wait3A_86 = arith.constant 9984 : i32
          %dma_wait3A_87 = arith.constant 0 : i32
          %dma_wait3A_88 = tpu.memref_slice %arg5[%dma_wait3A_86, %dma_wait3A_87] : memref<10000x128xf32, #tpu.memory_space<hbm>> -> memref<16x128xf32, #tpu.memory_space<hbm>>
          %dma_wait3A_89 = arith.constant 9984 : i32
          %dma_wait3A_90 = arith.constant 0 : i32
          %dma_wait3A_91 = tpu.memref_slice %arg9[%dma_wait3A_89, %dma_wait3A_90] : memref<10000x128xf32, #tpu.memory_space<vmem_shared>> -> memref<16x128xf32, #tpu.memory_space<vmem_shared>>
          tpu.wait_dma2 semaphore(%run_scoped3A_79 : memref<!tpu.dma_semaphore, #tpu.memory_space<semaphore_mem>>) src(%dma_wait3A_91 : memref<16x128xf32, #tpu.memory_space<vmem_shared>>) dst(%dma_wait3A_88 : memref<16x128xf32, #tpu.memory_space<hbm>>)
          tpu.yield
        }) : () -> ()
      } else {
      }
    } else {
    }
    %eq3A_69 = arith.constant 1 : i32
    %eq3A_70 = arith.cmpi eq, %arg0, %eq3A_69 : i32
    %convert_element_type3A_71 = arith.extui %eq3A_70 : i1 to i32
    %cond3A_72 = arith.constant 0 : i32
    %cond3A_73 = arith.cmpi ne, %convert_element_type3A_71, %cond3A_72 : i32
    scf.if %cond3A_73 {
      "tpu.region"() ({
        %run_scoped3A_79 = tpu.sem_alloc : memref<!tpu.dma_semaphore, #tpu.memory_space<semaphore_mem>>
        %dma_start3A_80 = arith.constant 0 : i32
        %dma_start3A_81 = tpu.memref_slice %arg6[%mul3A_2, %dma_start3A_80] : memref<10000x128xf32, #tpu.memory_space<hbm>> -> memref<624x128xf32, #tpu.memory_space<hbm>>
        %dma_start3A_82 = arith.constant 0 : i32
        %dma_start3A_83 = tpu.memref_slice %arg9[%mul3A_2, %dma_start3A_82] : memref<10000x128xf32, #tpu.memory_space<vmem_shared>> -> memref<624x128xf32, #tpu.memory_space<vmem_shared>>
        tpu.enqueue_dma source(%dma_start3A_83 : memref<624x128xf32, #tpu.memory_space<vmem_shared>>) target(%dma_start3A_81 : memref<624x128xf32, #tpu.memory_space<hbm>>) target_semaphore(%run_scoped3A_79 : memref<!tpu.dma_semaphore, #tpu.memory_space<semaphore_mem>>)
        %dma_wait3A_84 = arith.constant 0 : i32
        %dma_wait3A_85 = tpu.memref_slice %arg6[%mul3A_2, %dma_wait3A_84] : memref<10000x128xf32, #tpu.memory_space<hbm>> -> memref<624x128xf32, #tpu.memory_space<hbm>>
        %dma_wait3A_86 = arith.constant 0 : i32
        %dma_wait3A_87 = tpu.memref_slice %arg9[%mul3A_2, %dma_wait3A_86] : memref<10000x128xf32, #tpu.memory_space<vmem_shared>> -> memref<624x128xf32, #tpu.memory_space<vmem_shared>>
        tpu.wait_dma2 semaphore(%run_scoped3A_79 : memref<!tpu.dma_semaphore, #tpu.memory_space<semaphore_mem>>) src(%dma_wait3A_87 : memref<624x128xf32, #tpu.memory_space<vmem_shared>>) dst(%dma_wait3A_85 : memref<624x128xf32, #tpu.memory_space<hbm>>)
        tpu.yield
      }) : () -> ()
      %eq3A_74 = arith.constant 0 : i32
      %eq3A_75 = arith.cmpi eq, %arg1, %eq3A_74 : i32
      %convert_element_type3A_76 = arith.extui %eq3A_75 : i1 to i32
      %cond3A_77 = arith.constant 0 : i32
      %cond3A_78 = arith.cmpi ne, %convert_element_type3A_76, %cond3A_77 : i32
      scf.if %cond3A_78 {
        "tpu.region"() ({
          %run_scoped3A_79 = tpu.sem_alloc : memref<!tpu.dma_semaphore, #tpu.memory_space<semaphore_mem>>
          %dma_start3A_80 = arith.constant 9984 : i32
          %dma_start3A_81 = arith.constant 0 : i32
          %dma_start3A_82 = tpu.memref_slice %arg6[%dma_start3A_80, %dma_start3A_81] : memref<10000x128xf32, #tpu.memory_space<hbm>> -> memref<16x128xf32, #tpu.memory_space<hbm>>
          %dma_start3A_83 = arith.constant 9984 : i32
          %dma_start3A_84 = arith.constant 0 : i32
          %dma_start3A_85 = tpu.memref_slice %arg9[%dma_start3A_83, %dma_start3A_84] : memref<10000x128xf32, #tpu.memory_space<vmem_shared>> -> memref<16x128xf32, #tpu.memory_space<vmem_shared>>
          tpu.enqueue_dma source(%dma_start3A_85 : memref<16x128xf32, #tpu.memory_space<vmem_shared>>) target(%dma_start3A_82 : memref<16x128xf32, #tpu.memory_space<hbm>>) target_semaphore(%run_scoped3A_79 : memref<!tpu.dma_semaphore, #tpu.memory_space<semaphore_mem>>)
          %dma_wait3A_86 = arith.constant 9984 : i32
          %dma_wait3A_87 = arith.constant 0 : i32
          %dma_wait3A_88 = tpu.memref_slice %arg6[%dma_wait3A_86, %dma_wait3A_87] : memref<10000x128xf32, #tpu.memory_space<hbm>> -> memref<16x128xf32, #tpu.memory_space<hbm>>
          %dma_wait3A_89 = arith.constant 9984 : i32
          %dma_wait3A_90 = arith.constant 0 : i32
          %dma_wait3A_91 = tpu.memref_slice %arg9[%dma_wait3A_89, %dma_wait3A_90] : memref<10000x128xf32, #tpu.memory_space<vmem_shared>> -> memref<16x128xf32, #tpu.memory_space<vmem_shared>>
          tpu.wait_dma2 semaphore(%run_scoped3A_79 : memref<!tpu.dma_semaphore, #tpu.memory_space<semaphore_mem>>) src(%dma_wait3A_91 : memref<16x128xf32, #tpu.memory_space<vmem_shared>>) dst(%dma_wait3A_88 : memref<16x128xf32, #tpu.memory_space<hbm>>)
          tpu.yield
        }) : () -> ()
      } else {
      }
    } else {
    }
    return
  }
}

#map = affine_map<(d0, d1) -> (0, 0)>
module attributes {stable_mosaic.version = 14 : i64} {
  func.func @body(%arg0: i32, %arg1: i32, %arg2: memref<80x16xf32, #tpu.memory_space<hbm>>, %arg3: memref<2x320000xi32, #tpu.memory_space<hbm>>, %arg4: memref<10000x16xf32, #tpu.memory_space<hbm>>, %arg5: memref<10000x16xf32, #tpu.memory_space<hbm>>, %arg6: memref<10000x16xf32, #tpu.memory_space<hbm>>, %arg7: memref<10000xi32, #tpu.memory_space<vmem>>, %arg8: memref<80x16xf32, #tpu.memory_space<vmem>>, %arg9: memref<10000x16xf32, #tpu.memory_space<vmem_shared>>, %arg10: memref<!tpu.dma_semaphore, #tpu.memory_space<semaphore_mem>>) attributes {dimension_semantics = [#tpu.dimension_semantics<core_parallel>, #tpu.dimension_semantics<subcore_parallel>], iteration_bounds = array<i64: 2, 16>, scalar_prefetch = 0 : i64, scratch_operands = 4 : i64, tpu.core_type = #tpu.core_type<sc_vector_subcore>, window_params = [{transform_indices = #map}, {transform_indices = #map}, {transform_indices = #map}, {transform_indices = #map}, {transform_indices = #map}]} {
    %mul3A = arith.constant 2 : i32
    %mul3A_0 = arith.muli %arg1, %mul3A : i32
    %add3A = arith.addi %mul3A_0, %arg0 : i32
    %mul3A_1 = arith.constant 624 : i32
    %mul3A_2 = arith.muli %arg1, %mul3A_1 : i32
    %mul3A_3 = arith.constant 10000 : i32
    %mul3A_4 = arith.muli %add3A, %mul3A_3 : i32
    %run_scoped3A = arith.constant 0 : i32
    "tpu.region"() ({
      %run_scoped3A_29 = tpu.sem_alloc : memref<!tpu.dma_semaphore, #tpu.memory_space<semaphore_mem>>
      %dma_start3A = tpu.memref_slice %arg3[%run_scoped3A, %mul3A_4] : memref<2x320000xi32, #tpu.memory_space<hbm>> -> memref<1x10000xi32, #tpu.memory_space<hbm>>
      %dma_start3A_30 = tpu.memref_squeeze %dma_start3A : memref<1x10000xi32, #tpu.memory_space<hbm>> -> memref<10000xi32, #tpu.memory_space<hbm>>
      %dma_start3A_31 = tpu.memref_slice %arg3[%run_scoped3A, %mul3A_4] : memref<2x320000xi32, #tpu.memory_space<hbm>> -> memref<1x10000xi32, #tpu.memory_space<hbm>>
      %dma_start3A_32 = tpu.memref_squeeze %dma_start3A_31 : memref<1x10000xi32, #tpu.memory_space<hbm>> -> memref<10000xi32, #tpu.memory_space<hbm>>
      tpu.enqueue_dma source(%dma_start3A_32 : memref<10000xi32, #tpu.memory_space<hbm>>) target(%arg7 : memref<10000xi32, #tpu.memory_space<vmem>>) target_semaphore(%run_scoped3A_29 : memref<!tpu.dma_semaphore, #tpu.memory_space<semaphore_mem>>)
      %dma_wait3A = tpu.memref_slice %arg3[%run_scoped3A, %mul3A_4] : memref<2x320000xi32, #tpu.memory_space<hbm>> -> memref<1x10000xi32, #tpu.memory_space<hbm>>
      %dma_wait3A_33 = tpu.memref_squeeze %dma_wait3A : memref<1x10000xi32, #tpu.memory_space<hbm>> -> memref<10000xi32, #tpu.memory_space<hbm>>
      %dma_wait3A_34 = tpu.memref_slice %arg3[%run_scoped3A, %mul3A_4] : memref<2x320000xi32, #tpu.memory_space<hbm>> -> memref<1x10000xi32, #tpu.memory_space<hbm>>
      %dma_wait3A_35 = tpu.memref_squeeze %dma_wait3A_34 : memref<1x10000xi32, #tpu.memory_space<hbm>> -> memref<10000xi32, #tpu.memory_space<hbm>>
      tpu.wait_dma2 semaphore(%run_scoped3A_29 : memref<!tpu.dma_semaphore, #tpu.memory_space<semaphore_mem>>) src(%dma_wait3A_35 : memref<10000xi32, #tpu.memory_space<hbm>>) dst(%arg7 : memref<10000xi32, #tpu.memory_space<vmem>>)
      tpu.yield
    }) : () -> ()
    "tpu.region"() ({
      %run_scoped3A_29 = tpu.sem_alloc : memref<!tpu.dma_semaphore, #tpu.memory_space<semaphore_mem>>
      tpu.enqueue_dma source(%arg2 : memref<80x16xf32, #tpu.memory_space<hbm>>) target(%arg8 : memref<80x16xf32, #tpu.memory_space<vmem>>) target_semaphore(%run_scoped3A_29 : memref<!tpu.dma_semaphore, #tpu.memory_space<semaphore_mem>>)
      tpu.wait_dma2 semaphore(%run_scoped3A_29 : memref<!tpu.dma_semaphore, #tpu.memory_space<semaphore_mem>>) src(%arg2 : memref<80x16xf32, #tpu.memory_space<hbm>>) dst(%arg8 : memref<80x16xf32, #tpu.memory_space<vmem>>)
      tpu.yield
    }) : () -> ()
    "tpu.region"() ({
      %run_scoped3A_29 = tpu.sem_alloc : memref<!tpu.dma_semaphore, #tpu.memory_space<semaphore_mem>>
      %dma_start3A = arith.constant 0 : i32
      %dma_start3A_30 = tpu.memref_slice %arg9[%mul3A_2, %dma_start3A] : memref<10000x16xf32, #tpu.memory_space<vmem_shared>> -> memref<624x16xf32, #tpu.memory_space<vmem_shared>>
      %dma_start3A_31 = arith.constant 0 : i32
      %dma_start3A_32 = tpu.memref_slice %arg4[%mul3A_2, %dma_start3A_31] : memref<10000x16xf32, #tpu.memory_space<hbm>> -> memref<624x16xf32, #tpu.memory_space<hbm>>
      tpu.enqueue_dma source(%dma_start3A_32 : memref<624x16xf32, #tpu.memory_space<hbm>>) target(%dma_start3A_30 : memref<624x16xf32, #tpu.memory_space<vmem_shared>>) target_semaphore(%run_scoped3A_29 : memref<!tpu.dma_semaphore, #tpu.memory_space<semaphore_mem>>)
      %dma_wait3A = arith.constant 0 : i32
      %dma_wait3A_33 = tpu.memref_slice %arg9[%mul3A_2, %dma_wait3A] : memref<10000x16xf32, #tpu.memory_space<vmem_shared>> -> memref<624x16xf32, #tpu.memory_space<vmem_shared>>
      %dma_wait3A_34 = arith.constant 0 : i32
      %dma_wait3A_35 = tpu.memref_slice %arg4[%mul3A_2, %dma_wait3A_34] : memref<10000x16xf32, #tpu.memory_space<hbm>> -> memref<624x16xf32, #tpu.memory_space<hbm>>
      tpu.wait_dma2 semaphore(%run_scoped3A_29 : memref<!tpu.dma_semaphore, #tpu.memory_space<semaphore_mem>>) src(%dma_wait3A_35 : memref<624x16xf32, #tpu.memory_space<hbm>>) dst(%dma_wait3A_33 : memref<624x16xf32, #tpu.memory_space<vmem_shared>>)
      tpu.yield
    }) : () -> ()
    %eq3A = arith.constant 0 : i32
    %eq3A_5 = arith.cmpi eq, %arg1, %eq3A : i32
    %convert_element_type3A = arith.extui %eq3A_5 : i1 to i32
    %cond3A = arith.constant 0 : i32
    %cond3A_6 = arith.cmpi ne, %convert_element_type3A, %cond3A : i32
    scf.if %cond3A_6 {
      "tpu.region"() ({
        %run_scoped3A_29 = tpu.sem_alloc : memref<!tpu.dma_semaphore, #tpu.memory_space<semaphore_mem>>
        %dma_start3A = arith.constant 9984 : i32
        %dma_start3A_30 = arith.constant 0 : i32
        %dma_start3A_31 = tpu.memref_slice %arg9[%dma_start3A, %dma_start3A_30] : memref<10000x16xf32, #tpu.memory_space<vmem_shared>> -> memref<16x16xf32, #tpu.memory_space<vmem_shared>>
        %dma_start3A_32 = arith.constant 9984 : i32
        %dma_start3A_33 = arith.constant 0 : i32
        %dma_start3A_34 = tpu.memref_slice %arg4[%dma_start3A_32, %dma_start3A_33] : memref<10000x16xf32, #tpu.memory_space<hbm>> -> memref<16x16xf32, #tpu.memory_space<hbm>>
        tpu.enqueue_dma source(%dma_start3A_34 : memref<16x16xf32, #tpu.memory_space<hbm>>) target(%dma_start3A_31 : memref<16x16xf32, #tpu.memory_space<vmem_shared>>) target_semaphore(%run_scoped3A_29 : memref<!tpu.dma_semaphore, #tpu.memory_space<semaphore_mem>>)
        %dma_wait3A = arith.constant 9984 : i32
        %dma_wait3A_35 = arith.constant 0 : i32
        %dma_wait3A_36 = tpu.memref_slice %arg9[%dma_wait3A, %dma_wait3A_35] : memref<10000x16xf32, #tpu.memory_space<vmem_shared>> -> memref<16x16xf32, #tpu.memory_space<vmem_shared>>
        %dma_wait3A_37 = arith.constant 9984 : i32
        %dma_wait3A_38 = arith.constant 0 : i32
        %dma_wait3A_39 = tpu.memref_slice %arg4[%dma_wait3A_37, %dma_wait3A_38] : memref<10000x16xf32, #tpu.memory_space<hbm>> -> memref<16x16xf32, #tpu.memory_space<hbm>>
        tpu.wait_dma2 semaphore(%run_scoped3A_29 : memref<!tpu.dma_semaphore, #tpu.memory_space<semaphore_mem>>) src(%dma_wait3A_39 : memref<16x16xf32, #tpu.memory_space<hbm>>) dst(%dma_wait3A_36 : memref<16x16xf32, #tpu.memory_space<vmem_shared>>)
        tpu.yield
      }) : () -> ()
    } else {
    }
    %barrier3A = arith.constant 0 : index
    tpu.barrier barrier_id(%barrier3A)
    %scan3A = arith.constant 0 : i32
    %scan3A_7 = arith.constant 0 : i32
    %scan3A_8 = arith.constant 125 : i32
    %scan3A_9 = arith.addi %scan3A_7, %scan3A_8 : i32
    %scan3A_10 = arith.constant 1 : i32
    scf.for %scan3A_29 = %scan3A_7 to %scan3A_9 step %scan3A_10  : i32 {
      %mul3A_30 = arith.constant 80 : i32
      %mul3A_31 = arith.muli %scan3A_29, %mul3A_30 : i32
      %dma_start3A = tpu.memref_slice %arg7[%mul3A_31] : memref<10000xi32, #tpu.memory_space<vmem>> -> memref<80xi32, #tpu.memory_space<vmem>>
      %dma_start3A_32 = arith.constant 0 : i32
      %dma_start3A_33 = arith.constant 0 : i32
      %dma_start3A_34 = tpu.memref_slice %arg9[%dma_start3A_32, %dma_start3A_33] : memref<10000x16xf32, #tpu.memory_space<vmem_shared>> -> memref<10000x16xf32, #tpu.memory_space<vmem_shared>>
      tpu.enqueue_indirect_dma source(%arg8 : memref<80x16xf32, #tpu.memory_space<vmem>>) target(%dma_start3A_34 : memref<10000x16xf32, #tpu.memory_space<vmem_shared>>) offsets(%dma_start3A : memref<80xi32, #tpu.memory_space<vmem>>) semaphore(%arg10 : memref<!tpu.dma_semaphore, #tpu.memory_space<semaphore_mem>>) {add = true}
    }
    %scan3A_11 = arith.constant 125 : i32
    %scan3A_12 = arith.constant 0 : i32
    %scan3A_13 = arith.constant 0 : i32
    %scan3A_14 = arith.constant 125 : i32
    %scan3A_15 = arith.addi %scan3A_13, %scan3A_14 : i32
    %scan3A_16 = arith.constant 1 : i32
    scf.for %scan3A_29 = %scan3A_13 to %scan3A_15 step %scan3A_16  : i32 {
      %mul3A_30 = arith.constant 80 : i32
      %mul3A_31 = arith.muli %scan3A_29, %mul3A_30 : i32
      %dma_wait3A = tpu.memref_slice %arg7[%mul3A_31] : memref<10000xi32, #tpu.memory_space<vmem>> -> memref<80xi32, #tpu.memory_space<vmem>>
      %dma_wait3A_32 = arith.constant 0 : i32
      %dma_wait3A_33 = arith.constant 0 : i32
      %dma_wait3A_34 = tpu.memref_slice %arg9[%dma_wait3A_32, %dma_wait3A_33] : memref<10000x16xf32, #tpu.memory_space<vmem_shared>> -> memref<10000x16xf32, #tpu.memory_space<vmem_shared>>
      tpu.wait_indirect_dma semaphore(%arg10 : memref<!tpu.dma_semaphore, #tpu.memory_space<semaphore_mem>>) src(%arg8 : memref<80x16xf32, #tpu.memory_space<vmem>>) dst(%dma_wait3A_34 : memref<10000x16xf32, #tpu.memory_space<vmem_shared>>)
    }
    %scan3A_17 = arith.constant 125 : i32
    %barrier3A_18 = arith.constant 0 : index
    tpu.barrier barrier_id(%barrier3A_18)
    %eq3A_19 = arith.constant 0 : i32
    %eq3A_20 = arith.cmpi eq, %arg0, %eq3A_19 : i32
    %convert_element_type3A_21 = arith.extui %eq3A_20 : i1 to i32
    %cond3A_22 = arith.constant 0 : i32
    %cond3A_23 = arith.cmpi ne, %convert_element_type3A_21, %cond3A_22 : i32
    scf.if %cond3A_23 {
      "tpu.region"() ({
        %run_scoped3A_34 = tpu.sem_alloc : memref<!tpu.dma_semaphore, #tpu.memory_space<semaphore_mem>>
        %dma_start3A = arith.constant 0 : i32
        %dma_start3A_35 = tpu.memref_slice %arg5[%mul3A_2, %dma_start3A] : memref<10000x16xf32, #tpu.memory_space<hbm>> -> memref<624x16xf32, #tpu.memory_space<hbm>>
        %dma_start3A_36 = arith.constant 0 : i32
        %dma_start3A_37 = tpu.memref_slice %arg9[%mul3A_2, %dma_start3A_36] : memref<10000x16xf32, #tpu.memory_space<vmem_shared>> -> memref<624x16xf32, #tpu.memory_space<vmem_shared>>
        tpu.enqueue_dma source(%dma_start3A_37 : memref<624x16xf32, #tpu.memory_space<vmem_shared>>) target(%dma_start3A_35 : memref<624x16xf32, #tpu.memory_space<hbm>>) target_semaphore(%run_scoped3A_34 : memref<!tpu.dma_semaphore, #tpu.memory_space<semaphore_mem>>)
        %dma_wait3A = arith.constant 0 : i32
        %dma_wait3A_38 = tpu.memref_slice %arg5[%mul3A_2, %dma_wait3A] : memref<10000x16xf32, #tpu.memory_space<hbm>> -> memref<624x16xf32, #tpu.memory_space<hbm>>
        %dma_wait3A_39 = arith.constant 0 : i32
        %dma_wait3A_40 = tpu.memref_slice %arg9[%mul3A_2, %dma_wait3A_39] : memref<10000x16xf32, #tpu.memory_space<vmem_shared>> -> memref<624x16xf32, #tpu.memory_space<vmem_shared>>
        tpu.wait_dma2 semaphore(%run_scoped3A_34 : memref<!tpu.dma_semaphore, #tpu.memory_space<semaphore_mem>>) src(%dma_wait3A_40 : memref<624x16xf32, #tpu.memory_space<vmem_shared>>) dst(%dma_wait3A_38 : memref<624x16xf32, #tpu.memory_space<hbm>>)
        tpu.yield
      }) : () -> ()
      %eq3A_29 = arith.constant 0 : i32
      %eq3A_30 = arith.cmpi eq, %arg1, %eq3A_29 : i32
      %convert_element_type3A_31 = arith.extui %eq3A_30 : i1 to i32
      %cond3A_32 = arith.constant 0 : i32
      %cond3A_33 = arith.cmpi ne, %convert_element_type3A_31, %cond3A_32 : i32
      scf.if %cond3A_33 {
        "tpu.region"() ({
          %run_scoped3A_34 = tpu.sem_alloc : memref<!tpu.dma_semaphore, #tpu.memory_space<semaphore_mem>>
          %dma_start3A = arith.constant 9984 : i32
          %dma_start3A_35 = arith.constant 0 : i32
          %dma_start3A_36 = tpu.memref_slice %arg5[%dma_start3A, %dma_start3A_35] : memref<10000x16xf32, #tpu.memory_space<hbm>> -> memref<16x16xf32, #tpu.memory_space<hbm>>
          %dma_start3A_37 = arith.constant 9984 : i32
          %dma_start3A_38 = arith.constant 0 : i32
          %dma_start3A_39 = tpu.memref_slice %arg9[%dma_start3A_37, %dma_start3A_38] : memref<10000x16xf32, #tpu.memory_space<vmem_shared>> -> memref<16x16xf32, #tpu.memory_space<vmem_shared>>
          tpu.enqueue_dma source(%dma_start3A_39 : memref<16x16xf32, #tpu.memory_space<vmem_shared>>) target(%dma_start3A_36 : memref<16x16xf32, #tpu.memory_space<hbm>>) target_semaphore(%run_scoped3A_34 : memref<!tpu.dma_semaphore, #tpu.memory_space<semaphore_mem>>)
          %dma_wait3A = arith.constant 9984 : i32
          %dma_wait3A_40 = arith.constant 0 : i32
          %dma_wait3A_41 = tpu.memref_slice %arg5[%dma_wait3A, %dma_wait3A_40] : memref<10000x16xf32, #tpu.memory_space<hbm>> -> memref<16x16xf32, #tpu.memory_space<hbm>>
          %dma_wait3A_42 = arith.constant 9984 : i32
          %dma_wait3A_43 = arith.constant 0 : i32
          %dma_wait3A_44 = tpu.memref_slice %arg9[%dma_wait3A_42, %dma_wait3A_43] : memref<10000x16xf32, #tpu.memory_space<vmem_shared>> -> memref<16x16xf32, #tpu.memory_space<vmem_shared>>
          tpu.wait_dma2 semaphore(%run_scoped3A_34 : memref<!tpu.dma_semaphore, #tpu.memory_space<semaphore_mem>>) src(%dma_wait3A_44 : memref<16x16xf32, #tpu.memory_space<vmem_shared>>) dst(%dma_wait3A_41 : memref<16x16xf32, #tpu.memory_space<hbm>>)
          tpu.yield
        }) : () -> ()
      } else {
      }
    } else {
    }
    %eq3A_24 = arith.constant 1 : i32
    %eq3A_25 = arith.cmpi eq, %arg0, %eq3A_24 : i32
    %convert_element_type3A_26 = arith.extui %eq3A_25 : i1 to i32
    %cond3A_27 = arith.constant 0 : i32
    %cond3A_28 = arith.cmpi ne, %convert_element_type3A_26, %cond3A_27 : i32
    scf.if %cond3A_28 {
      "tpu.region"() ({
        %run_scoped3A_34 = tpu.sem_alloc : memref<!tpu.dma_semaphore, #tpu.memory_space<semaphore_mem>>
        %dma_start3A = arith.constant 0 : i32
        %dma_start3A_35 = tpu.memref_slice %arg6[%mul3A_2, %dma_start3A] : memref<10000x16xf32, #tpu.memory_space<hbm>> -> memref<624x16xf32, #tpu.memory_space<hbm>>
        %dma_start3A_36 = arith.constant 0 : i32
        %dma_start3A_37 = tpu.memref_slice %arg9[%mul3A_2, %dma_start3A_36] : memref<10000x16xf32, #tpu.memory_space<vmem_shared>> -> memref<624x16xf32, #tpu.memory_space<vmem_shared>>
        tpu.enqueue_dma source(%dma_start3A_37 : memref<624x16xf32, #tpu.memory_space<vmem_shared>>) target(%dma_start3A_35 : memref<624x16xf32, #tpu.memory_space<hbm>>) target_semaphore(%run_scoped3A_34 : memref<!tpu.dma_semaphore, #tpu.memory_space<semaphore_mem>>)
        %dma_wait3A = arith.constant 0 : i32
        %dma_wait3A_38 = tpu.memref_slice %arg6[%mul3A_2, %dma_wait3A] : memref<10000x16xf32, #tpu.memory_space<hbm>> -> memref<624x16xf32, #tpu.memory_space<hbm>>
        %dma_wait3A_39 = arith.constant 0 : i32
        %dma_wait3A_40 = tpu.memref_slice %arg9[%mul3A_2, %dma_wait3A_39] : memref<10000x16xf32, #tpu.memory_space<vmem_shared>> -> memref<624x16xf32, #tpu.memory_space<vmem_shared>>
        tpu.wait_dma2 semaphore(%run_scoped3A_34 : memref<!tpu.dma_semaphore, #tpu.memory_space<semaphore_mem>>) src(%dma_wait3A_40 : memref<624x16xf32, #tpu.memory_space<vmem_shared>>) dst(%dma_wait3A_38 : memref<624x16xf32, #tpu.memory_space<hbm>>)
        tpu.yield
      }) : () -> ()
      %eq3A_29 = arith.constant 0 : i32
      %eq3A_30 = arith.cmpi eq, %arg1, %eq3A_29 : i32
      %convert_element_type3A_31 = arith.extui %eq3A_30 : i1 to i32
      %cond3A_32 = arith.constant 0 : i32
      %cond3A_33 = arith.cmpi ne, %convert_element_type3A_31, %cond3A_32 : i32
      scf.if %cond3A_33 {
        "tpu.region"() ({
          %run_scoped3A_34 = tpu.sem_alloc : memref<!tpu.dma_semaphore, #tpu.memory_space<semaphore_mem>>
          %dma_start3A = arith.constant 9984 : i32
          %dma_start3A_35 = arith.constant 0 : i32
          %dma_start3A_36 = tpu.memref_slice %arg6[%dma_start3A, %dma_start3A_35] : memref<10000x16xf32, #tpu.memory_space<hbm>> -> memref<16x16xf32, #tpu.memory_space<hbm>>
          %dma_start3A_37 = arith.constant 9984 : i32
          %dma_start3A_38 = arith.constant 0 : i32
          %dma_start3A_39 = tpu.memref_slice %arg9[%dma_start3A_37, %dma_start3A_38] : memref<10000x16xf32, #tpu.memory_space<vmem_shared>> -> memref<16x16xf32, #tpu.memory_space<vmem_shared>>
          tpu.enqueue_dma source(%dma_start3A_39 : memref<16x16xf32, #tpu.memory_space<vmem_shared>>) target(%dma_start3A_36 : memref<16x16xf32, #tpu.memory_space<hbm>>) target_semaphore(%run_scoped3A_34 : memref<!tpu.dma_semaphore, #tpu.memory_space<semaphore_mem>>)
          %dma_wait3A = arith.constant 9984 : i32
          %dma_wait3A_40 = arith.constant 0 : i32
          %dma_wait3A_41 = tpu.memref_slice %arg6[%dma_wait3A, %dma_wait3A_40] : memref<10000x16xf32, #tpu.memory_space<hbm>> -> memref<16x16xf32, #tpu.memory_space<hbm>>
          %dma_wait3A_42 = arith.constant 9984 : i32
          %dma_wait3A_43 = arith.constant 0 : i32
          %dma_wait3A_44 = tpu.memref_slice %arg9[%dma_wait3A_42, %dma_wait3A_43] : memref<10000x16xf32, #tpu.memory_space<vmem_shared>> -> memref<16x16xf32, #tpu.memory_space<vmem_shared>>
          tpu.wait_dma2 semaphore(%run_scoped3A_34 : memref<!tpu.dma_semaphore, #tpu.memory_space<semaphore_mem>>) src(%dma_wait3A_44 : memref<16x16xf32, #tpu.memory_space<vmem_shared>>) dst(%dma_wait3A_41 : memref<16x16xf32, #tpu.memory_space<hbm>>)
          tpu.yield
        }) : () -> ()
      } else {
      }
    } else {
    }
    return
  }
}

#map = affine_map<(d0, d1) -> (0, 0)>
module attributes {stable_mosaic.version = 14 : i64} {
  func.func @body(%arg0: i32, %arg1: i32, %arg2: memref<10000x128xf32, #tpu.memory_space<hbm>>, %arg3: memref<2x320000xi32, #tpu.memory_space<hbm>>, %arg4: memref<10000x128xf32, #tpu.memory_space<hbm>>, %arg5: memref<10000x128xf32, #tpu.memory_space<hbm>>, %arg6: memref<10000x128xf32, #tpu.memory_space<hbm>>, %arg7: memref<10000xi32, #tpu.memory_space<vmem>>, %arg8: memref<80x128xf32, #tpu.memory_space<vmem>>, %arg9: memref<10000x128xf32, #tpu.memory_space<vmem_shared>>, %arg10: memref<10000xi32, #tpu.memory_space<vmem>>, %arg11: memref<80x128xf32, #tpu.memory_space<vmem>>, %arg12: memref<80x128xf32, #tpu.memory_space<vmem>>, %arg13: memref<!tpu.dma_semaphore, #tpu.memory_space<semaphore_mem>>, %arg14: memref<!tpu.dma_semaphore, #tpu.memory_space<semaphore_mem>>, %arg15: memref<!tpu.dma_semaphore, #tpu.memory_space<semaphore_mem>>) attributes {dimension_semantics = [#tpu.dimension_semantics<core_parallel>, #tpu.dimension_semantics<subcore_parallel>], iteration_bounds = array<i64: 2, 16>, scalar_prefetch = 0 : i64, scratch_operands = 9 : i64, tpu.core_type = #tpu.core_type<sc_vector_subcore>, window_params = [{transform_indices = #map}, {transform_indices = #map}, {transform_indices = #map}, {transform_indices = #map}, {transform_indices = #map}]} {
    %mul3A = arith.constant 2 : i32
    %mul3A_0 = arith.muli %arg1, %mul3A : i32
    %add3A = arith.addi %mul3A_0, %arg0 : i32
    %mul3A_1 = arith.constant 624 : i32
    %mul3A_2 = arith.muli %arg1, %mul3A_1 : i32
    %mul3A_3 = arith.constant 10000 : i32
    %mul3A_4 = arith.muli %add3A, %mul3A_3 : i32
    %run_scoped3A = arith.constant 0 : i32
    "tpu.region"() ({
      %run_scoped3A_74 = tpu.sem_alloc : memref<!tpu.dma_semaphore, #tpu.memory_space<semaphore_mem>>
      %dma_start3A_75 = tpu.memref_slice %arg3[%run_scoped3A, %mul3A_4] : memref<2x320000xi32, #tpu.memory_space<hbm>> -> memref<1x10000xi32, #tpu.memory_space<hbm>>
      %dma_start3A_76 = tpu.memref_squeeze %dma_start3A_75 : memref<1x10000xi32, #tpu.memory_space<hbm>> -> memref<10000xi32, #tpu.memory_space<hbm>>
      %dma_start3A_77 = tpu.memref_slice %arg3[%run_scoped3A, %mul3A_4] : memref<2x320000xi32, #tpu.memory_space<hbm>> -> memref<1x10000xi32, #tpu.memory_space<hbm>>
      %dma_start3A_78 = tpu.memref_squeeze %dma_start3A_77 : memref<1x10000xi32, #tpu.memory_space<hbm>> -> memref<10000xi32, #tpu.memory_space<hbm>>
      tpu.enqueue_dma source(%dma_start3A_78 : memref<10000xi32, #tpu.memory_space<hbm>>) target(%arg7 : memref<10000xi32, #tpu.memory_space<vmem>>) target_semaphore(%run_scoped3A_74 : memref<!tpu.dma_semaphore, #tpu.memory_space<semaphore_mem>>)
      %dma_wait3A_79 = tpu.memref_slice %arg3[%run_scoped3A, %mul3A_4] : memref<2x320000xi32, #tpu.memory_space<hbm>> -> memref<1x10000xi32, #tpu.memory_space<hbm>>
      %dma_wait3A_80 = tpu.memref_squeeze %dma_wait3A_79 : memref<1x10000xi32, #tpu.memory_space<hbm>> -> memref<10000xi32, #tpu.memory_space<hbm>>
      %dma_wait3A_81 = tpu.memref_slice %arg3[%run_scoped3A, %mul3A_4] : memref<2x320000xi32, #tpu.memory_space<hbm>> -> memref<1x10000xi32, #tpu.memory_space<hbm>>
      %dma_wait3A_82 = tpu.memref_squeeze %dma_wait3A_81 : memref<1x10000xi32, #tpu.memory_space<hbm>> -> memref<10000xi32, #tpu.memory_space<hbm>>
      tpu.wait_dma2 semaphore(%run_scoped3A_74 : memref<!tpu.dma_semaphore, #tpu.memory_space<semaphore_mem>>) src(%dma_wait3A_82 : memref<10000xi32, #tpu.memory_space<hbm>>) dst(%arg7 : memref<10000xi32, #tpu.memory_space<vmem>>)
      tpu.yield
    }) : () -> ()
    %mul3A_5 = arith.constant 10000 : i32
    %mul3A_6 = arith.muli %add3A, %mul3A_5 : i32
    %run_scoped3A_7 = arith.constant 1 : i32
    "tpu.region"() ({
      %run_scoped3A_74 = tpu.sem_alloc : memref<!tpu.dma_semaphore, #tpu.memory_space<semaphore_mem>>
      %dma_start3A_75 = tpu.memref_slice %arg3[%run_scoped3A_7, %mul3A_6] : memref<2x320000xi32, #tpu.memory_space<hbm>> -> memref<1x10000xi32, #tpu.memory_space<hbm>>
      %dma_start3A_76 = tpu.memref_squeeze %dma_start3A_75 : memref<1x10000xi32, #tpu.memory_space<hbm>> -> memref<10000xi32, #tpu.memory_space<hbm>>
      %dma_start3A_77 = tpu.memref_slice %arg3[%run_scoped3A_7, %mul3A_6] : memref<2x320000xi32, #tpu.memory_space<hbm>> -> memref<1x10000xi32, #tpu.memory_space<hbm>>
      %dma_start3A_78 = tpu.memref_squeeze %dma_start3A_77 : memref<1x10000xi32, #tpu.memory_space<hbm>> -> memref<10000xi32, #tpu.memory_space<hbm>>
      tpu.enqueue_dma source(%dma_start3A_78 : memref<10000xi32, #tpu.memory_space<hbm>>) target(%arg10 : memref<10000xi32, #tpu.memory_space<vmem>>) target_semaphore(%run_scoped3A_74 : memref<!tpu.dma_semaphore, #tpu.memory_space<semaphore_mem>>)
      %dma_wait3A_79 = tpu.memref_slice %arg3[%run_scoped3A_7, %mul3A_6] : memref<2x320000xi32, #tpu.memory_space<hbm>> -> memref<1x10000xi32, #tpu.memory_space<hbm>>
      %dma_wait3A_80 = tpu.memref_squeeze %dma_wait3A_79 : memref<1x10000xi32, #tpu.memory_space<hbm>> -> memref<10000xi32, #tpu.memory_space<hbm>>
      %dma_wait3A_81 = tpu.memref_slice %arg3[%run_scoped3A_7, %mul3A_6] : memref<2x320000xi32, #tpu.memory_space<hbm>> -> memref<1x10000xi32, #tpu.memory_space<hbm>>
      %dma_wait3A_82 = tpu.memref_squeeze %dma_wait3A_81 : memref<1x10000xi32, #tpu.memory_space<hbm>> -> memref<10000xi32, #tpu.memory_space<hbm>>
      tpu.wait_dma2 semaphore(%run_scoped3A_74 : memref<!tpu.dma_semaphore, #tpu.memory_space<semaphore_mem>>) src(%dma_wait3A_82 : memref<10000xi32, #tpu.memory_space<hbm>>) dst(%arg10 : memref<10000xi32, #tpu.memory_space<vmem>>)
      tpu.yield
    }) : () -> ()
    "tpu.region"() ({
      %run_scoped3A_74 = tpu.sem_alloc : memref<!tpu.dma_semaphore, #tpu.memory_space<semaphore_mem>>
      %dma_start3A_75 = arith.constant 0 : i32
      %dma_start3A_76 = tpu.memref_slice %arg9[%mul3A_2, %dma_start3A_75] : memref<10000x128xf32, #tpu.memory_space<vmem_shared>> -> memref<624x128xf32, #tpu.memory_space<vmem_shared>>
      %dma_start3A_77 = arith.constant 0 : i32
      %dma_start3A_78 = tpu.memref_slice %arg4[%mul3A_2, %dma_start3A_77] : memref<10000x128xf32, #tpu.memory_space<hbm>> -> memref<624x128xf32, #tpu.memory_space<hbm>>
      tpu.enqueue_dma source(%dma_start3A_78 : memref<624x128xf32, #tpu.memory_space<hbm>>) target(%dma_start3A_76 : memref<624x128xf32, #tpu.memory_space<vmem_shared>>) target_semaphore(%run_scoped3A_74 : memref<!tpu.dma_semaphore, #tpu.memory_space<semaphore_mem>>)
      %dma_wait3A_79 = arith.constant 0 : i32
      %dma_wait3A_80 = tpu.memref_slice %arg9[%mul3A_2, %dma_wait3A_79] : memref<10000x128xf32, #tpu.memory_space<vmem_shared>> -> memref<624x128xf32, #tpu.memory_space<vmem_shared>>
      %dma_wait3A_81 = arith.constant 0 : i32
      %dma_wait3A_82 = tpu.memref_slice %arg4[%mul3A_2, %dma_wait3A_81] : memref<10000x128xf32, #tpu.memory_space<hbm>> -> memref<624x128xf32, #tpu.memory_space<hbm>>
      tpu.wait_dma2 semaphore(%run_scoped3A_74 : memref<!tpu.dma_semaphore, #tpu.memory_space<semaphore_mem>>) src(%dma_wait3A_82 : memref<624x128xf32, #tpu.memory_space<hbm>>) dst(%dma_wait3A_80 : memref<624x128xf32, #tpu.memory_space<vmem_shared>>)
      tpu.yield
    }) : () -> ()
    %eq3A = arith.constant 0 : i32
    %eq3A_8 = arith.cmpi eq, %arg1, %eq3A : i32
    %convert_element_type3A = arith.extui %eq3A_8 : i1 to i32
    %cond3A = arith.constant 0 : i32
    %cond3A_9 = arith.cmpi ne, %convert_element_type3A, %cond3A : i32
    scf.if %cond3A_9 {
      "tpu.region"() ({
        %run_scoped3A_74 = tpu.sem_alloc : memref<!tpu.dma_semaphore, #tpu.memory_space<semaphore_mem>>
        %dma_start3A_75 = arith.constant 9984 : i32
        %dma_start3A_76 = arith.constant 0 : i32
        %dma_start3A_77 = tpu.memref_slice %arg9[%dma_start3A_75, %dma_start3A_76] : memref<10000x128xf32, #tpu.memory_space<vmem_shared>> -> memref<16x128xf32, #tpu.memory_space<vmem_shared>>
        %dma_start3A_78 = arith.constant 9984 : i32
        %dma_start3A_79 = arith.constant 0 : i32
        %dma_start3A_80 = tpu.memref_slice %arg4[%dma_start3A_78, %dma_start3A_79] : memref<10000x128xf32, #tpu.memory_space<hbm>> -> memref<16x128xf32, #tpu.memory_space<hbm>>
        tpu.enqueue_dma source(%dma_start3A_80 : memref<16x128xf32, #tpu.memory_space<hbm>>) target(%dma_start3A_77 : memref<16x128xf32, #tpu.memory_space<vmem_shared>>) target_semaphore(%run_scoped3A_74 : memref<!tpu.dma_semaphore, #tpu.memory_space<semaphore_mem>>)
        %dma_wait3A_81 = arith.constant 9984 : i32
        %dma_wait3A_82 = arith.constant 0 : i32
        %dma_wait3A_83 = tpu.memref_slice %arg9[%dma_wait3A_81, %dma_wait3A_82] : memref<10000x128xf32, #tpu.memory_space<vmem_shared>> -> memref<16x128xf32, #tpu.memory_space<vmem_shared>>
        %dma_wait3A_84 = arith.constant 9984 : i32
        %dma_wait3A_85 = arith.constant 0 : i32
        %dma_wait3A_86 = tpu.memref_slice %arg4[%dma_wait3A_84, %dma_wait3A_85] : memref<10000x128xf32, #tpu.memory_space<hbm>> -> memref<16x128xf32, #tpu.memory_space<hbm>>
        tpu.wait_dma2 semaphore(%run_scoped3A_74 : memref<!tpu.dma_semaphore, #tpu.memory_space<semaphore_mem>>) src(%dma_wait3A_86 : memref<16x128xf32, #tpu.memory_space<hbm>>) dst(%dma_wait3A_83 : memref<16x128xf32, #tpu.memory_space<vmem_shared>>)
        tpu.yield
      }) : () -> ()
    } else {
    }
    %barrier3A = arith.constant 0 : index
    tpu.barrier barrier_id(%barrier3A)
    %dma_start3A = arith.constant 0 : i32
    %dma_start3A_10 = tpu.memref_slice %arg10[%dma_start3A] : memref<10000xi32, #tpu.memory_space<vmem>> -> memref<80xi32, #tpu.memory_space<vmem>>
    %dma_start3A_11 = arith.constant 0 : i32
    %dma_start3A_12 = arith.constant 0 : i32
    %dma_start3A_13 = tpu.memref_slice %arg2[%dma_start3A_11, %dma_start3A_12] : memref<10000x128xf32, #tpu.memory_space<hbm>> -> memref<10000x128xf32, #tpu.memory_space<hbm>>
    tpu.enqueue_indirect_dma source(%dma_start3A_13 : memref<10000x128xf32, #tpu.memory_space<hbm>>) target(%arg8 : memref<80x128xf32, #tpu.memory_space<vmem>>) offsets(%dma_start3A_10 : memref<80xi32, #tpu.memory_space<vmem>>) semaphore(%arg13 : memref<!tpu.dma_semaphore, #tpu.memory_space<semaphore_mem>>)
    %dma_start3A_14 = arith.constant 80 : i32
    %dma_start3A_15 = tpu.memref_slice %arg10[%dma_start3A_14] : memref<10000xi32, #tpu.memory_space<vmem>> -> memref<80xi32, #tpu.memory_space<vmem>>
    %dma_start3A_16 = arith.constant 0 : i32
    %dma_start3A_17 = arith.constant 0 : i32
    %dma_start3A_18 = tpu.memref_slice %arg2[%dma_start3A_16, %dma_start3A_17] : memref<10000x128xf32, #tpu.memory_space<hbm>> -> memref<10000x128xf32, #tpu.memory_space<hbm>>
    tpu.enqueue_indirect_dma source(%dma_start3A_18 : memref<10000x128xf32, #tpu.memory_space<hbm>>) target(%arg11 : memref<80x128xf32, #tpu.memory_space<vmem>>) offsets(%dma_start3A_15 : memref<80xi32, #tpu.memory_space<vmem>>) semaphore(%arg14 : memref<!tpu.dma_semaphore, #tpu.memory_space<semaphore_mem>>)
    %dma_start3A_19 = arith.constant 160 : i32
    %dma_start3A_20 = tpu.memref_slice %arg10[%dma_start3A_19] : memref<10000xi32, #tpu.memory_space<vmem>> -> memref<80xi32, #tpu.memory_space<vmem>>
    %dma_start3A_21 = arith.constant 0 : i32
    %dma_start3A_22 = arith.constant 0 : i32
    %dma_start3A_23 = tpu.memref_slice %arg2[%dma_start3A_21, %dma_start3A_22] : memref<10000x128xf32, #tpu.memory_space<hbm>> -> memref<10000x128xf32, #tpu.memory_space<hbm>>
    tpu.enqueue_indirect_dma source(%dma_start3A_23 : memref<10000x128xf32, #tpu.memory_space<hbm>>) target(%arg12 : memref<80x128xf32, #tpu.memory_space<vmem>>) offsets(%dma_start3A_20 : memref<80xi32, #tpu.memory_space<vmem>>) semaphore(%arg15 : memref<!tpu.dma_semaphore, #tpu.memory_space<semaphore_mem>>)
    %scan3A = arith.constant 0 : i32
    %scan3A_24 = arith.constant 0 : i32
    %scan3A_25 = arith.constant 40 : i32
    %scan3A_26 = arith.addi %scan3A_24, %scan3A_25 : i32
    %scan3A_27 = arith.constant 1 : i32
    scf.for %scan3A_74 = %scan3A_24 to %scan3A_26 step %scan3A_27  : i32 {
      %mul3A_75 = arith.constant 3 : i32
      %mul3A_76 = arith.muli %mul3A_75, %scan3A_74 : i32
      %add3A_77 = arith.constant 0 : i32
      %add3A_78 = arith.addi %mul3A_76, %add3A_77 : i32
      %mul3A_79 = arith.constant 80 : i32
      %mul3A_80 = arith.muli %add3A_78, %mul3A_79 : i32
      %dma_wait3A_81 = tpu.memref_slice %arg10[%mul3A_80] : memref<10000xi32, #tpu.memory_space<vmem>> -> memref<80xi32, #tpu.memory_space<vmem>>
      %dma_wait3A_82 = arith.constant 0 : i32
      %dma_wait3A_83 = arith.constant 0 : i32
      %dma_wait3A_84 = tpu.memref_slice %arg2[%dma_wait3A_82, %dma_wait3A_83] : memref<10000x128xf32, #tpu.memory_space<hbm>> -> memref<10000x128xf32, #tpu.memory_space<hbm>>
      tpu.wait_indirect_dma semaphore(%arg13 : memref<!tpu.dma_semaphore, #tpu.memory_space<semaphore_mem>>) src(%dma_wait3A_84 : memref<10000x128xf32, #tpu.memory_space<hbm>>) dst(%arg8 : memref<80x128xf32, #tpu.memory_space<vmem>>)
      %add3A_85 = arith.constant 0 : i32
      %add3A_86 = arith.addi %mul3A_76, %add3A_85 : i32
      %mul3A_87 = arith.constant 80 : i32
      %mul3A_88 = arith.muli %add3A_86, %mul3A_87 : i32
      "tpu.region"() ({
        %run_scoped3A_143 = tpu.sem_alloc : memref<!tpu.dma_semaphore, #tpu.memory_space<semaphore_mem>>
        %dma_start3A_144 = tpu.memref_slice %arg7[%mul3A_88] : memref<10000xi32, #tpu.memory_space<vmem>> -> memref<80xi32, #tpu.memory_space<vmem>>
        %dma_start3A_145 = arith.constant 0 : i32
        %dma_start3A_146 = arith.constant 0 : i32
        %dma_start3A_147 = tpu.memref_slice %arg9[%dma_start3A_145, %dma_start3A_146] : memref<10000x128xf32, #tpu.memory_space<vmem_shared>> -> memref<10000x128xf32, #tpu.memory_space<vmem_shared>>
        tpu.enqueue_indirect_dma source(%arg8 : memref<80x128xf32, #tpu.memory_space<vmem>>) target(%dma_start3A_147 : memref<10000x128xf32, #tpu.memory_space<vmem_shared>>) offsets(%dma_start3A_144 : memref<80xi32, #tpu.memory_space<vmem>>) semaphore(%run_scoped3A_143 : memref<!tpu.dma_semaphore, #tpu.memory_space<semaphore_mem>>) {add = true}
        %dma_wait3A_148 = tpu.memref_slice %arg7[%mul3A_88] : memref<10000xi32, #tpu.memory_space<vmem>> -> memref<80xi32, #tpu.memory_space<vmem>>
        %dma_wait3A_149 = arith.constant 0 : i32
        %dma_wait3A_150 = arith.constant 0 : i32
        %dma_wait3A_151 = tpu.memref_slice %arg9[%dma_wait3A_149, %dma_wait3A_150] : memref<10000x128xf32, #tpu.memory_space<vmem_shared>> -> memref<10000x128xf32, #tpu.memory_space<vmem_shared>>
        tpu.wait_indirect_dma semaphore(%run_scoped3A_143 : memref<!tpu.dma_semaphore, #tpu.memory_space<semaphore_mem>>) src(%arg8 : memref<80x128xf32, #tpu.memory_space<vmem>>) dst(%dma_wait3A_151 : memref<10000x128xf32, #tpu.memory_space<vmem_shared>>)
        tpu.yield
      }) : () -> ()
      %add3A_89 = arith.constant 3 : i32
      %add3A_90 = arith.addi %mul3A_76, %add3A_89 : i32
      %add3A_91 = arith.constant 0 : i32
      %add3A_92 = arith.addi %add3A_90, %add3A_91 : i32
      %mul3A_93 = arith.constant 80 : i32
      %mul3A_94 = arith.muli %add3A_92, %mul3A_93 : i32
      %dma_start3A_95 = tpu.memref_slice %arg10[%mul3A_94] : memref<10000xi32, #tpu.memory_space<vmem>> -> memref<80xi32, #tpu.memory_space<vmem>>
      %dma_start3A_96 = arith.constant 0 : i32
      %dma_start3A_97 = arith.constant 0 : i32
      %dma_start3A_98 = tpu.memref_slice %arg2[%dma_start3A_96, %dma_start3A_97] : memref<10000x128xf32, #tpu.memory_space<hbm>> -> memref<10000x128xf32, #tpu.memory_space<hbm>>
      tpu.enqueue_indirect_dma source(%dma_start3A_98 : memref<10000x128xf32, #tpu.memory_space<hbm>>) target(%arg8 : memref<80x128xf32, #tpu.memory_space<vmem>>) offsets(%dma_start3A_95 : memref<80xi32, #tpu.memory_space<vmem>>) semaphore(%arg13 : memref<!tpu.dma_semaphore, #tpu.memory_space<semaphore_mem>>)
      %add3A_99 = arith.constant 1 : i32
      %add3A_100 = arith.addi %mul3A_76, %add3A_99 : i32
      %mul3A_101 = arith.constant 80 : i32
      %mul3A_102 = arith.muli %add3A_100, %mul3A_101 : i32
      %dma_wait3A_103 = tpu.memref_slice %arg10[%mul3A_102] : memref<10000xi32, #tpu.memory_space<vmem>> -> memref<80xi32, #tpu.memory_space<vmem>>
      %dma_wait3A_104 = arith.constant 0 : i32
      %dma_wait3A_105 = arith.constant 0 : i32
      %dma_wait3A_106 = tpu.memref_slice %arg2[%dma_wait3A_104, %dma_wait3A_105] : memref<10000x128xf32, #tpu.memory_space<hbm>> -> memref<10000x128xf32, #tpu.memory_space<hbm>>
      tpu.wait_indirect_dma semaphore(%arg14 : memref<!tpu.dma_semaphore, #tpu.memory_space<semaphore_mem>>) src(%dma_wait3A_106 : memref<10000x128xf32, #tpu.memory_space<hbm>>) dst(%arg11 : memref<80x128xf32, #tpu.memory_space<vmem>>)
      %add3A_107 = arith.constant 1 : i32
      %add3A_108 = arith.addi %mul3A_76, %add3A_107 : i32
      %mul3A_109 = arith.constant 80 : i32
      %mul3A_110 = arith.muli %add3A_108, %mul3A_109 : i32
      "tpu.region"() ({
        %run_scoped3A_143 = tpu.sem_alloc : memref<!tpu.dma_semaphore, #tpu.memory_space<semaphore_mem>>
        %dma_start3A_144 = tpu.memref_slice %arg7[%mul3A_110] : memref<10000xi32, #tpu.memory_space<vmem>> -> memref<80xi32, #tpu.memory_space<vmem>>
        %dma_start3A_145 = arith.constant 0 : i32
        %dma_start3A_146 = arith.constant 0 : i32
        %dma_start3A_147 = tpu.memref_slice %arg9[%dma_start3A_145, %dma_start3A_146] : memref<10000x128xf32, #tpu.memory_space<vmem_shared>> -> memref<10000x128xf32, #tpu.memory_space<vmem_shared>>
        tpu.enqueue_indirect_dma source(%arg11 : memref<80x128xf32, #tpu.memory_space<vmem>>) target(%dma_start3A_147 : memref<10000x128xf32, #tpu.memory_space<vmem_shared>>) offsets(%dma_start3A_144 : memref<80xi32, #tpu.memory_space<vmem>>) semaphore(%run_scoped3A_143 : memref<!tpu.dma_semaphore, #tpu.memory_space<semaphore_mem>>) {add = true}
        %dma_wait3A_148 = tpu.memref_slice %arg7[%mul3A_110] : memref<10000xi32, #tpu.memory_space<vmem>> -> memref<80xi32, #tpu.memory_space<vmem>>
        %dma_wait3A_149 = arith.constant 0 : i32
        %dma_wait3A_150 = arith.constant 0 : i32
        %dma_wait3A_151 = tpu.memref_slice %arg9[%dma_wait3A_149, %dma_wait3A_150] : memref<10000x128xf32, #tpu.memory_space<vmem_shared>> -> memref<10000x128xf32, #tpu.memory_space<vmem_shared>>
        tpu.wait_indirect_dma semaphore(%run_scoped3A_143 : memref<!tpu.dma_semaphore, #tpu.memory_space<semaphore_mem>>) src(%arg11 : memref<80x128xf32, #tpu.memory_space<vmem>>) dst(%dma_wait3A_151 : memref<10000x128xf32, #tpu.memory_space<vmem_shared>>)
        tpu.yield
      }) : () -> ()
      %add3A_111 = arith.constant 3 : i32
      %add3A_112 = arith.addi %mul3A_76, %add3A_111 : i32
      %add3A_113 = arith.constant 1 : i32
      %add3A_114 = arith.addi %add3A_112, %add3A_113 : i32
      %mul3A_115 = arith.constant 80 : i32
      %mul3A_116 = arith.muli %add3A_114, %mul3A_115 : i32
      %dma_start3A_117 = tpu.memref_slice %arg10[%mul3A_116] : memref<10000xi32, #tpu.memory_space<vmem>> -> memref<80xi32, #tpu.memory_space<vmem>>
      %dma_start3A_118 = arith.constant 0 : i32
      %dma_start3A_119 = arith.constant 0 : i32
      %dma_start3A_120 = tpu.memref_slice %arg2[%dma_start3A_118, %dma_start3A_119] : memref<10000x128xf32, #tpu.memory_space<hbm>> -> memref<10000x128xf32, #tpu.memory_space<hbm>>
      tpu.enqueue_indirect_dma source(%dma_start3A_120 : memref<10000x128xf32, #tpu.memory_space<hbm>>) target(%arg11 : memref<80x128xf32, #tpu.memory_space<vmem>>) offsets(%dma_start3A_117 : memref<80xi32, #tpu.memory_space<vmem>>) semaphore(%arg14 : memref<!tpu.dma_semaphore, #tpu.memory_space<semaphore_mem>>)
      %add3A_121 = arith.constant 2 : i32
      %add3A_122 = arith.addi %mul3A_76, %add3A_121 : i32
      %mul3A_123 = arith.constant 80 : i32
      %mul3A_124 = arith.muli %add3A_122, %mul3A_123 : i32
      %dma_wait3A_125 = tpu.memref_slice %arg10[%mul3A_124] : memref<10000xi32, #tpu.memory_space<vmem>> -> memref<80xi32, #tpu.memory_space<vmem>>
      %dma_wait3A_126 = arith.constant 0 : i32
      %dma_wait3A_127 = arith.constant 0 : i32
      %dma_wait3A_128 = tpu.memref_slice %arg2[%dma_wait3A_126, %dma_wait3A_127] : memref<10000x128xf32, #tpu.memory_space<hbm>> -> memref<10000x128xf32, #tpu.memory_space<hbm>>
      tpu.wait_indirect_dma semaphore(%arg15 : memref<!tpu.dma_semaphore, #tpu.memory_space<semaphore_mem>>) src(%dma_wait3A_128 : memref<10000x128xf32, #tpu.memory_space<hbm>>) dst(%arg12 : memref<80x128xf32, #tpu.memory_space<vmem>>)
      %add3A_129 = arith.constant 2 : i32
      %add3A_130 = arith.addi %mul3A_76, %add3A_129 : i32
      %mul3A_131 = arith.constant 80 : i32
      %mul3A_132 = arith.muli %add3A_130, %mul3A_131 : i32
      "tpu.region"() ({
        %run_scoped3A_143 = tpu.sem_alloc : memref<!tpu.dma_semaphore, #tpu.memory_space<semaphore_mem>>
        %dma_start3A_144 = tpu.memref_slice %arg7[%mul3A_132] : memref<10000xi32, #tpu.memory_space<vmem>> -> memref<80xi32, #tpu.memory_space<vmem>>
        %dma_start3A_145 = arith.constant 0 : i32
        %dma_start3A_146 = arith.constant 0 : i32
        %dma_start3A_147 = tpu.memref_slice %arg9[%dma_start3A_145, %dma_start3A_146] : memref<10000x128xf32, #tpu.memory_space<vmem_shared>> -> memref<10000x128xf32, #tpu.memory_space<vmem_shared>>
        tpu.enqueue_indirect_dma source(%arg12 : memref<80x128xf32, #tpu.memory_space<vmem>>) target(%dma_start3A_147 : memref<10000x128xf32, #tpu.memory_space<vmem_shared>>) offsets(%dma_start3A_144 : memref<80xi32, #tpu.memory_space<vmem>>) semaphore(%run_scoped3A_143 : memref<!tpu.dma_semaphore, #tpu.memory_space<semaphore_mem>>) {add = true}
        %dma_wait3A_148 = tpu.memref_slice %arg7[%mul3A_132] : memref<10000xi32, #tpu.memory_space<vmem>> -> memref<80xi32, #tpu.memory_space<vmem>>
        %dma_wait3A_149 = arith.constant 0 : i32
        %dma_wait3A_150 = arith.constant 0 : i32
        %dma_wait3A_151 = tpu.memref_slice %arg9[%dma_wait3A_149, %dma_wait3A_150] : memref<10000x128xf32, #tpu.memory_space<vmem_shared>> -> memref<10000x128xf32, #tpu.memory_space<vmem_shared>>
        tpu.wait_indirect_dma semaphore(%run_scoped3A_143 : memref<!tpu.dma_semaphore, #tpu.memory_space<semaphore_mem>>) src(%arg12 : memref<80x128xf32, #tpu.memory_space<vmem>>) dst(%dma_wait3A_151 : memref<10000x128xf32, #tpu.memory_space<vmem_shared>>)
        tpu.yield
      }) : () -> ()
      %add3A_133 = arith.constant 3 : i32
      %add3A_134 = arith.addi %mul3A_76, %add3A_133 : i32
      %add3A_135 = arith.constant 2 : i32
      %add3A_136 = arith.addi %add3A_134, %add3A_135 : i32
      %mul3A_137 = arith.constant 80 : i32
      %mul3A_138 = arith.muli %add3A_136, %mul3A_137 : i32
      %dma_start3A_139 = tpu.memref_slice %arg10[%mul3A_138] : memref<10000xi32, #tpu.memory_space<vmem>> -> memref<80xi32, #tpu.memory_space<vmem>>
      %dma_start3A_140 = arith.constant 0 : i32
      %dma_start3A_141 = arith.constant 0 : i32
      %dma_start3A_142 = tpu.memref_slice %arg2[%dma_start3A_140, %dma_start3A_141] : memref<10000x128xf32, #tpu.memory_space<hbm>> -> memref<10000x128xf32, #tpu.memory_space<hbm>>
      tpu.enqueue_indirect_dma source(%dma_start3A_142 : memref<10000x128xf32, #tpu.memory_space<hbm>>) target(%arg12 : memref<80x128xf32, #tpu.memory_space<vmem>>) offsets(%dma_start3A_139 : memref<80xi32, #tpu.memory_space<vmem>>) semaphore(%arg15 : memref<!tpu.dma_semaphore, #tpu.memory_space<semaphore_mem>>)
    }
    %scan3A_28 = arith.constant 40 : i32
    %dma_wait3A = arith.constant 9600 : i32
    %dma_wait3A_29 = tpu.memref_slice %arg10[%dma_wait3A] : memref<10000xi32, #tpu.memory_space<vmem>> -> memref<80xi32, #tpu.memory_space<vmem>>
    %dma_wait3A_30 = arith.constant 0 : i32
    %dma_wait3A_31 = arith.constant 0 : i32
    %dma_wait3A_32 = tpu.memref_slice %arg2[%dma_wait3A_30, %dma_wait3A_31] : memref<10000x128xf32, #tpu.memory_space<hbm>> -> memref<10000x128xf32, #tpu.memory_space<hbm>>
    tpu.wait_indirect_dma semaphore(%arg13 : memref<!tpu.dma_semaphore, #tpu.memory_space<semaphore_mem>>) src(%dma_wait3A_32 : memref<10000x128xf32, #tpu.memory_space<hbm>>) dst(%arg8 : memref<80x128xf32, #tpu.memory_space<vmem>>)
    "tpu.region"() ({
      %run_scoped3A_74 = tpu.sem_alloc : memref<!tpu.dma_semaphore, #tpu.memory_space<semaphore_mem>>
      %dma_start3A_75 = arith.constant 9600 : i32
      %dma_start3A_76 = tpu.memref_slice %arg7[%dma_start3A_75] : memref<10000xi32, #tpu.memory_space<vmem>> -> memref<80xi32, #tpu.memory_space<vmem>>
      %dma_start3A_77 = arith.constant 0 : i32
      %dma_start3A_78 = arith.constant 0 : i32
      %dma_start3A_79 = tpu.memref_slice %arg9[%dma_start3A_77, %dma_start3A_78] : memref<10000x128xf32, #tpu.memory_space<vmem_shared>> -> memref<10000x128xf32, #tpu.memory_space<vmem_shared>>
      tpu.enqueue_indirect_dma source(%arg8 : memref<80x128xf32, #tpu.memory_space<vmem>>) target(%dma_start3A_79 : memref<10000x128xf32, #tpu.memory_space<vmem_shared>>) offsets(%dma_start3A_76 : memref<80xi32, #tpu.memory_space<vmem>>) semaphore(%run_scoped3A_74 : memref<!tpu.dma_semaphore, #tpu.memory_space<semaphore_mem>>) {add = true}
      %dma_wait3A_80 = arith.constant 9600 : i32
      %dma_wait3A_81 = tpu.memref_slice %arg7[%dma_wait3A_80] : memref<10000xi32, #tpu.memory_space<vmem>> -> memref<80xi32, #tpu.memory_space<vmem>>
      %dma_wait3A_82 = arith.constant 0 : i32
      %dma_wait3A_83 = arith.constant 0 : i32
      %dma_wait3A_84 = tpu.memref_slice %arg9[%dma_wait3A_82, %dma_wait3A_83] : memref<10000x128xf32, #tpu.memory_space<vmem_shared>> -> memref<10000x128xf32, #tpu.memory_space<vmem_shared>>
      tpu.wait_indirect_dma semaphore(%run_scoped3A_74 : memref<!tpu.dma_semaphore, #tpu.memory_space<semaphore_mem>>) src(%arg8 : memref<80x128xf32, #tpu.memory_space<vmem>>) dst(%dma_wait3A_84 : memref<10000x128xf32, #tpu.memory_space<vmem_shared>>)
      tpu.yield
    }) : () -> ()
    %dma_start3A_33 = arith.constant 9840 : i32
    %dma_start3A_34 = tpu.memref_slice %arg10[%dma_start3A_33] : memref<10000xi32, #tpu.memory_space<vmem>> -> memref<80xi32, #tpu.memory_space<vmem>>
    %dma_start3A_35 = arith.constant 0 : i32
    %dma_start3A_36 = arith.constant 0 : i32
    %dma_start3A_37 = tpu.memref_slice %arg2[%dma_start3A_35, %dma_start3A_36] : memref<10000x128xf32, #tpu.memory_space<hbm>> -> memref<10000x128xf32, #tpu.memory_space<hbm>>
    tpu.enqueue_indirect_dma source(%dma_start3A_37 : memref<10000x128xf32, #tpu.memory_space<hbm>>) target(%arg8 : memref<80x128xf32, #tpu.memory_space<vmem>>) offsets(%dma_start3A_34 : memref<80xi32, #tpu.memory_space<vmem>>) semaphore(%arg13 : memref<!tpu.dma_semaphore, #tpu.memory_space<semaphore_mem>>)
    %dma_wait3A_38 = arith.constant 9680 : i32
    %dma_wait3A_39 = tpu.memref_slice %arg10[%dma_wait3A_38] : memref<10000xi32, #tpu.memory_space<vmem>> -> memref<80xi32, #tpu.memory_space<vmem>>
    %dma_wait3A_40 = arith.constant 0 : i32
    %dma_wait3A_41 = arith.constant 0 : i32
    %dma_wait3A_42 = tpu.memref_slice %arg2[%dma_wait3A_40, %dma_wait3A_41] : memref<10000x128xf32, #tpu.memory_space<hbm>> -> memref<10000x128xf32, #tpu.memory_space<hbm>>
    tpu.wait_indirect_dma semaphore(%arg14 : memref<!tpu.dma_semaphore, #tpu.memory_space<semaphore_mem>>) src(%dma_wait3A_42 : memref<10000x128xf32, #tpu.memory_space<hbm>>) dst(%arg11 : memref<80x128xf32, #tpu.memory_space<vmem>>)
    "tpu.region"() ({
      %run_scoped3A_74 = tpu.sem_alloc : memref<!tpu.dma_semaphore, #tpu.memory_space<semaphore_mem>>
      %dma_start3A_75 = arith.constant 9680 : i32
      %dma_start3A_76 = tpu.memref_slice %arg7[%dma_start3A_75] : memref<10000xi32, #tpu.memory_space<vmem>> -> memref<80xi32, #tpu.memory_space<vmem>>
      %dma_start3A_77 = arith.constant 0 : i32
      %dma_start3A_78 = arith.constant 0 : i32
      %dma_start3A_79 = tpu.memref_slice %arg9[%dma_start3A_77, %dma_start3A_78] : memref<10000x128xf32, #tpu.memory_space<vmem_shared>> -> memref<10000x128xf32, #tpu.memory_space<vmem_shared>>
      tpu.enqueue_indirect_dma source(%arg11 : memref<80x128xf32, #tpu.memory_space<vmem>>) target(%dma_start3A_79 : memref<10000x128xf32, #tpu.memory_space<vmem_shared>>) offsets(%dma_start3A_76 : memref<80xi32, #tpu.memory_space<vmem>>) semaphore(%run_scoped3A_74 : memref<!tpu.dma_semaphore, #tpu.memory_space<semaphore_mem>>) {add = true}
      %dma_wait3A_80 = arith.constant 9680 : i32
      %dma_wait3A_81 = tpu.memref_slice %arg7[%dma_wait3A_80] : memref<10000xi32, #tpu.memory_space<vmem>> -> memref<80xi32, #tpu.memory_space<vmem>>
      %dma_wait3A_82 = arith.constant 0 : i32
      %dma_wait3A_83 = arith.constant 0 : i32
      %dma_wait3A_84 = tpu.memref_slice %arg9[%dma_wait3A_82, %dma_wait3A_83] : memref<10000x128xf32, #tpu.memory_space<vmem_shared>> -> memref<10000x128xf32, #tpu.memory_space<vmem_shared>>
      tpu.wait_indirect_dma semaphore(%run_scoped3A_74 : memref<!tpu.dma_semaphore, #tpu.memory_space<semaphore_mem>>) src(%arg11 : memref<80x128xf32, #tpu.memory_space<vmem>>) dst(%dma_wait3A_84 : memref<10000x128xf32, #tpu.memory_space<vmem_shared>>)
      tpu.yield
    }) : () -> ()
    %dma_start3A_43 = arith.constant 9920 : i32
    %dma_start3A_44 = tpu.memref_slice %arg10[%dma_start3A_43] : memref<10000xi32, #tpu.memory_space<vmem>> -> memref<80xi32, #tpu.memory_space<vmem>>
    %dma_start3A_45 = arith.constant 0 : i32
    %dma_start3A_46 = arith.constant 0 : i32
    %dma_start3A_47 = tpu.memref_slice %arg2[%dma_start3A_45, %dma_start3A_46] : memref<10000x128xf32, #tpu.memory_space<hbm>> -> memref<10000x128xf32, #tpu.memory_space<hbm>>
    tpu.enqueue_indirect_dma source(%dma_start3A_47 : memref<10000x128xf32, #tpu.memory_space<hbm>>) target(%arg11 : memref<80x128xf32, #tpu.memory_space<vmem>>) offsets(%dma_start3A_44 : memref<80xi32, #tpu.memory_space<vmem>>) semaphore(%arg14 : memref<!tpu.dma_semaphore, #tpu.memory_space<semaphore_mem>>)
    %dma_wait3A_48 = arith.constant 9760 : i32
    %dma_wait3A_49 = tpu.memref_slice %arg10[%dma_wait3A_48] : memref<10000xi32, #tpu.memory_space<vmem>> -> memref<80xi32, #tpu.memory_space<vmem>>
    %dma_wait3A_50 = arith.constant 0 : i32
    %dma_wait3A_51 = arith.constant 0 : i32
    %dma_wait3A_52 = tpu.memref_slice %arg2[%dma_wait3A_50, %dma_wait3A_51] : memref<10000x128xf32, #tpu.memory_space<hbm>> -> memref<10000x128xf32, #tpu.memory_space<hbm>>
    tpu.wait_indirect_dma semaphore(%arg15 : memref<!tpu.dma_semaphore, #tpu.memory_space<semaphore_mem>>) src(%dma_wait3A_52 : memref<10000x128xf32, #tpu.memory_space<hbm>>) dst(%arg12 : memref<80x128xf32, #tpu.memory_space<vmem>>)
    "tpu.region"() ({
      %run_scoped3A_74 = tpu.sem_alloc : memref<!tpu.dma_semaphore, #tpu.memory_space<semaphore_mem>>
      %dma_start3A_75 = arith.constant 9760 : i32
      %dma_start3A_76 = tpu.memref_slice %arg7[%dma_start3A_75] : memref<10000xi32, #tpu.memory_space<vmem>> -> memref<80xi32, #tpu.memory_space<vmem>>
      %dma_start3A_77 = arith.constant 0 : i32
      %dma_start3A_78 = arith.constant 0 : i32
      %dma_start3A_79 = tpu.memref_slice %arg9[%dma_start3A_77, %dma_start3A_78] : memref<10000x128xf32, #tpu.memory_space<vmem_shared>> -> memref<10000x128xf32, #tpu.memory_space<vmem_shared>>
      tpu.enqueue_indirect_dma source(%arg12 : memref<80x128xf32, #tpu.memory_space<vmem>>) target(%dma_start3A_79 : memref<10000x128xf32, #tpu.memory_space<vmem_shared>>) offsets(%dma_start3A_76 : memref<80xi32, #tpu.memory_space<vmem>>) semaphore(%run_scoped3A_74 : memref<!tpu.dma_semaphore, #tpu.memory_space<semaphore_mem>>) {add = true}
      %dma_wait3A_80 = arith.constant 9760 : i32
      %dma_wait3A_81 = tpu.memref_slice %arg7[%dma_wait3A_80] : memref<10000xi32, #tpu.memory_space<vmem>> -> memref<80xi32, #tpu.memory_space<vmem>>
      %dma_wait3A_82 = arith.constant 0 : i32
      %dma_wait3A_83 = arith.constant 0 : i32
      %dma_wait3A_84 = tpu.memref_slice %arg9[%dma_wait3A_82, %dma_wait3A_83] : memref<10000x128xf32, #tpu.memory_space<vmem_shared>> -> memref<10000x128xf32, #tpu.memory_space<vmem_shared>>
      tpu.wait_indirect_dma semaphore(%run_scoped3A_74 : memref<!tpu.dma_semaphore, #tpu.memory_space<semaphore_mem>>) src(%arg12 : memref<80x128xf32, #tpu.memory_space<vmem>>) dst(%dma_wait3A_84 : memref<10000x128xf32, #tpu.memory_space<vmem_shared>>)
      tpu.yield
    }) : () -> ()
    %dma_wait3A_53 = arith.constant 9840 : i32
    %dma_wait3A_54 = tpu.memref_slice %arg10[%dma_wait3A_53] : memref<10000xi32, #tpu.memory_space<vmem>> -> memref<80xi32, #tpu.memory_space<vmem>>
    %dma_wait3A_55 = arith.constant 0 : i32
    %dma_wait3A_56 = arith.constant 0 : i32
    %dma_wait3A_57 = tpu.memref_slice %arg2[%dma_wait3A_55, %dma_wait3A_56] : memref<10000x128xf32, #tpu.memory_space<hbm>> -> memref<10000x128xf32, #tpu.memory_space<hbm>>
    tpu.wait_indirect_dma semaphore(%arg13 : memref<!tpu.dma_semaphore, #tpu.memory_space<semaphore_mem>>) src(%dma_wait3A_57 : memref<10000x128xf32, #tpu.memory_space<hbm>>) dst(%arg8 : memref<80x128xf32, #tpu.memory_space<vmem>>)
    "tpu.region"() ({
      %run_scoped3A_74 = tpu.sem_alloc : memref<!tpu.dma_semaphore, #tpu.memory_space<semaphore_mem>>
      %dma_start3A_75 = arith.constant 9840 : i32
      %dma_start3A_76 = tpu.memref_slice %arg7[%dma_start3A_75] : memref<10000xi32, #tpu.memory_space<vmem>> -> memref<80xi32, #tpu.memory_space<vmem>>
      %dma_start3A_77 = arith.constant 0 : i32
      %dma_start3A_78 = arith.constant 0 : i32
      %dma_start3A_79 = tpu.memref_slice %arg9[%dma_start3A_77, %dma_start3A_78] : memref<10000x128xf32, #tpu.memory_space<vmem_shared>> -> memref<10000x128xf32, #tpu.memory_space<vmem_shared>>
      tpu.enqueue_indirect_dma source(%arg8 : memref<80x128xf32, #tpu.memory_space<vmem>>) target(%dma_start3A_79 : memref<10000x128xf32, #tpu.memory_space<vmem_shared>>) offsets(%dma_start3A_76 : memref<80xi32, #tpu.memory_space<vmem>>) semaphore(%run_scoped3A_74 : memref<!tpu.dma_semaphore, #tpu.memory_space<semaphore_mem>>) {add = true}
      %dma_wait3A_80 = arith.constant 9840 : i32
      %dma_wait3A_81 = tpu.memref_slice %arg7[%dma_wait3A_80] : memref<10000xi32, #tpu.memory_space<vmem>> -> memref<80xi32, #tpu.memory_space<vmem>>
      %dma_wait3A_82 = arith.constant 0 : i32
      %dma_wait3A_83 = arith.constant 0 : i32
      %dma_wait3A_84 = tpu.memref_slice %arg9[%dma_wait3A_82, %dma_wait3A_83] : memref<10000x128xf32, #tpu.memory_space<vmem_shared>> -> memref<10000x128xf32, #tpu.memory_space<vmem_shared>>
      tpu.wait_indirect_dma semaphore(%run_scoped3A_74 : memref<!tpu.dma_semaphore, #tpu.memory_space<semaphore_mem>>) src(%arg8 : memref<80x128xf32, #tpu.memory_space<vmem>>) dst(%dma_wait3A_84 : memref<10000x128xf32, #tpu.memory_space<vmem_shared>>)
      tpu.yield
    }) : () -> ()
    %dma_wait3A_58 = arith.constant 9920 : i32
    %dma_wait3A_59 = tpu.memref_slice %arg10[%dma_wait3A_58] : memref<10000xi32, #tpu.memory_space<vmem>> -> memref<80xi32, #tpu.memory_space<vmem>>
    %dma_wait3A_60 = arith.constant 0 : i32
    %dma_wait3A_61 = arith.constant 0 : i32
    %dma_wait3A_62 = tpu.memref_slice %arg2[%dma_wait3A_60, %dma_wait3A_61] : memref<10000x128xf32, #tpu.memory_space<hbm>> -> memref<10000x128xf32, #tpu.memory_space<hbm>>
    tpu.wait_indirect_dma semaphore(%arg14 : memref<!tpu.dma_semaphore, #tpu.memory_space<semaphore_mem>>) src(%dma_wait3A_62 : memref<10000x128xf32, #tpu.memory_space<hbm>>) dst(%arg11 : memref<80x128xf32, #tpu.memory_space<vmem>>)
    "tpu.region"() ({
      %run_scoped3A_74 = tpu.sem_alloc : memref<!tpu.dma_semaphore, #tpu.memory_space<semaphore_mem>>
      %dma_start3A_75 = arith.constant 9920 : i32
      %dma_start3A_76 = tpu.memref_slice %arg7[%dma_start3A_75] : memref<10000xi32, #tpu.memory_space<vmem>> -> memref<80xi32, #tpu.memory_space<vmem>>
      %dma_start3A_77 = arith.constant 0 : i32
      %dma_start3A_78 = arith.constant 0 : i32
      %dma_start3A_79 = tpu.memref_slice %arg9[%dma_start3A_77, %dma_start3A_78] : memref<10000x128xf32, #tpu.memory_space<vmem_shared>> -> memref<10000x128xf32, #tpu.memory_space<vmem_shared>>
      tpu.enqueue_indirect_dma source(%arg11 : memref<80x128xf32, #tpu.memory_space<vmem>>) target(%dma_start3A_79 : memref<10000x128xf32, #tpu.memory_space<vmem_shared>>) offsets(%dma_start3A_76 : memref<80xi32, #tpu.memory_space<vmem>>) semaphore(%run_scoped3A_74 : memref<!tpu.dma_semaphore, #tpu.memory_space<semaphore_mem>>) {add = true}
      %dma_wait3A_80 = arith.constant 9920 : i32
      %dma_wait3A_81 = tpu.memref_slice %arg7[%dma_wait3A_80] : memref<10000xi32, #tpu.memory_space<vmem>> -> memref<80xi32, #tpu.memory_space<vmem>>
      %dma_wait3A_82 = arith.constant 0 : i32
      %dma_wait3A_83 = arith.constant 0 : i32
      %dma_wait3A_84 = tpu.memref_slice %arg9[%dma_wait3A_82, %dma_wait3A_83] : memref<10000x128xf32, #tpu.memory_space<vmem_shared>> -> memref<10000x128xf32, #tpu.memory_space<vmem_shared>>
      tpu.wait_indirect_dma semaphore(%run_scoped3A_74 : memref<!tpu.dma_semaphore, #tpu.memory_space<semaphore_mem>>) src(%arg11 : memref<80x128xf32, #tpu.memory_space<vmem>>) dst(%dma_wait3A_84 : memref<10000x128xf32, #tpu.memory_space<vmem_shared>>)
      tpu.yield
    }) : () -> ()
    %barrier3A_63 = arith.constant 0 : index
    tpu.barrier barrier_id(%barrier3A_63)
    %eq3A_64 = arith.constant 0 : i32
    %eq3A_65 = arith.cmpi eq, %arg0, %eq3A_64 : i32
    %convert_element_type3A_66 = arith.extui %eq3A_65 : i1 to i32
    %cond3A_67 = arith.constant 0 : i32
    %cond3A_68 = arith.cmpi ne, %convert_element_type3A_66, %cond3A_67 : i32
    scf.if %cond3A_68 {
      "tpu.region"() ({
        %run_scoped3A_79 = tpu.sem_alloc : memref<!tpu.dma_semaphore, #tpu.memory_space<semaphore_mem>>
        %dma_start3A_80 = arith.constant 0 : i32
        %dma_start3A_81 = tpu.memref_slice %arg5[%mul3A_2, %dma_start3A_80] : memref<10000x128xf32, #tpu.memory_space<hbm>> -> memref<624x128xf32, #tpu.memory_space<hbm>>
        %dma_start3A_82 = arith.constant 0 : i32
        %dma_start3A_83 = tpu.memref_slice %arg9[%mul3A_2, %dma_start3A_82] : memref<10000x128xf32, #tpu.memory_space<vmem_shared>> -> memref<624x128xf32, #tpu.memory_space<vmem_shared>>
        tpu.enqueue_dma source(%dma_start3A_83 : memref<624x128xf32, #tpu.memory_space<vmem_shared>>) target(%dma_start3A_81 : memref<624x128xf32, #tpu.memory_space<hbm>>) target_semaphore(%run_scoped3A_79 : memref<!tpu.dma_semaphore, #tpu.memory_space<semaphore_mem>>)
        %dma_wait3A_84 = arith.constant 0 : i32
        %dma_wait3A_85 = tpu.memref_slice %arg5[%mul3A_2, %dma_wait3A_84] : memref<10000x128xf32, #tpu.memory_space<hbm>> -> memref<624x128xf32, #tpu.memory_space<hbm>>
        %dma_wait3A_86 = arith.constant 0 : i32
        %dma_wait3A_87 = tpu.memref_slice %arg9[%mul3A_2, %dma_wait3A_86] : memref<10000x128xf32, #tpu.memory_space<vmem_shared>> -> memref<624x128xf32, #tpu.memory_space<vmem_shared>>
        tpu.wait_dma2 semaphore(%run_scoped3A_79 : memref<!tpu.dma_semaphore, #tpu.memory_space<semaphore_mem>>) src(%dma_wait3A_87 : memref<624x128xf32, #tpu.memory_space<vmem_shared>>) dst(%dma_wait3A_85 : memref<624x128xf32, #tpu.memory_space<hbm>>)
        tpu.yield
      }) : () -> ()
      %eq3A_74 = arith.constant 0 : i32
      %eq3A_75 = arith.cmpi eq, %arg1, %eq3A_74 : i32
      %convert_element_type3A_76 = arith.extui %eq3A_75 : i1 to i32
      %cond3A_77 = arith.constant 0 : i32
      %cond3A_78 = arith.cmpi ne, %convert_element_type3A_76, %cond3A_77 : i32
      scf.if %cond3A_78 {
        "tpu.region"() ({
          %run_scoped3A_79 = tpu.sem_alloc : memref<!tpu.dma_semaphore, #tpu.memory_space<semaphore_mem>>
          %dma_start3A_80 = arith.constant 9984 : i32
          %dma_start3A_81 = arith.constant 0 : i32
          %dma_start3A_82 = tpu.memref_slice %arg5[%dma_start3A_80, %dma_start3A_81] : memref<10000x128xf32, #tpu.memory_space<hbm>> -> memref<16x128xf32, #tpu.memory_space<hbm>>
          %dma_start3A_83 = arith.constant 9984 : i32
          %dma_start3A_84 = arith.constant 0 : i32
          %dma_start3A_85 = tpu.memref_slice %arg9[%dma_start3A_83, %dma_start3A_84] : memref<10000x128xf32, #tpu.memory_space<vmem_shared>> -> memref<16x128xf32, #tpu.memory_space<vmem_shared>>
          tpu.enqueue_dma source(%dma_start3A_85 : memref<16x128xf32, #tpu.memory_space<vmem_shared>>) target(%dma_start3A_82 : memref<16x128xf32, #tpu.memory_space<hbm>>) target_semaphore(%run_scoped3A_79 : memref<!tpu.dma_semaphore, #tpu.memory_space<semaphore_mem>>)
          %dma_wait3A_86 = arith.constant 9984 : i32
          %dma_wait3A_87 = arith.constant 0 : i32
          %dma_wait3A_88 = tpu.memref_slice %arg5[%dma_wait3A_86, %dma_wait3A_87] : memref<10000x128xf32, #tpu.memory_space<hbm>> -> memref<16x128xf32, #tpu.memory_space<hbm>>
          %dma_wait3A_89 = arith.constant 9984 : i32
          %dma_wait3A_90 = arith.constant 0 : i32
          %dma_wait3A_91 = tpu.memref_slice %arg9[%dma_wait3A_89, %dma_wait3A_90] : memref<10000x128xf32, #tpu.memory_space<vmem_shared>> -> memref<16x128xf32, #tpu.memory_space<vmem_shared>>
          tpu.wait_dma2 semaphore(%run_scoped3A_79 : memref<!tpu.dma_semaphore, #tpu.memory_space<semaphore_mem>>) src(%dma_wait3A_91 : memref<16x128xf32, #tpu.memory_space<vmem_shared>>) dst(%dma_wait3A_88 : memref<16x128xf32, #tpu.memory_space<hbm>>)
          tpu.yield
        }) : () -> ()
      } else {
      }
    } else {
    }
    %eq3A_69 = arith.constant 1 : i32
    %eq3A_70 = arith.cmpi eq, %arg0, %eq3A_69 : i32
    %convert_element_type3A_71 = arith.extui %eq3A_70 : i1 to i32
    %cond3A_72 = arith.constant 0 : i32
    %cond3A_73 = arith.cmpi ne, %convert_element_type3A_71, %cond3A_72 : i32
    scf.if %cond3A_73 {
      "tpu.region"() ({
        %run_scoped3A_79 = tpu.sem_alloc : memref<!tpu.dma_semaphore, #tpu.memory_space<semaphore_mem>>
        %dma_start3A_80 = arith.constant 0 : i32
        %dma_start3A_81 = tpu.memref_slice %arg6[%mul3A_2, %dma_start3A_80] : memref<10000x128xf32, #tpu.memory_space<hbm>> -> memref<624x128xf32, #tpu.memory_space<hbm>>
        %dma_start3A_82 = arith.constant 0 : i32
        %dma_start3A_83 = tpu.memref_slice %arg9[%mul3A_2, %dma_start3A_82] : memref<10000x128xf32, #tpu.memory_space<vmem_shared>> -> memref<624x128xf32, #tpu.memory_space<vmem_shared>>
        tpu.enqueue_dma source(%dma_start3A_83 : memref<624x128xf32, #tpu.memory_space<vmem_shared>>) target(%dma_start3A_81 : memref<624x128xf32, #tpu.memory_space<hbm>>) target_semaphore(%run_scoped3A_79 : memref<!tpu.dma_semaphore, #tpu.memory_space<semaphore_mem>>)
        %dma_wait3A_84 = arith.constant 0 : i32
        %dma_wait3A_85 = tpu.memref_slice %arg6[%mul3A_2, %dma_wait3A_84] : memref<10000x128xf32, #tpu.memory_space<hbm>> -> memref<624x128xf32, #tpu.memory_space<hbm>>
        %dma_wait3A_86 = arith.constant 0 : i32
        %dma_wait3A_87 = tpu.memref_slice %arg9[%mul3A_2, %dma_wait3A_86] : memref<10000x128xf32, #tpu.memory_space<vmem_shared>> -> memref<624x128xf32, #tpu.memory_space<vmem_shared>>
        tpu.wait_dma2 semaphore(%run_scoped3A_79 : memref<!tpu.dma_semaphore, #tpu.memory_space<semaphore_mem>>) src(%dma_wait3A_87 : memref<624x128xf32, #tpu.memory_space<vmem_shared>>) dst(%dma_wait3A_85 : memref<624x128xf32, #tpu.memory_space<hbm>>)
        tpu.yield
      }) : () -> ()
      %eq3A_74 = arith.constant 0 : i32
      %eq3A_75 = arith.cmpi eq, %arg1, %eq3A_74 : i32
      %convert_element_type3A_76 = arith.extui %eq3A_75 : i1 to i32
      %cond3A_77 = arith.constant 0 : i32
      %cond3A_78 = arith.cmpi ne, %convert_element_type3A_76, %cond3A_77 : i32
      scf.if %cond3A_78 {
        "tpu.region"() ({
          %run_scoped3A_79 = tpu.sem_alloc : memref<!tpu.dma_semaphore, #tpu.memory_space<semaphore_mem>>
          %dma_start3A_80 = arith.constant 9984 : i32
          %dma_start3A_81 = arith.constant 0 : i32
          %dma_start3A_82 = tpu.memref_slice %arg6[%dma_start3A_80, %dma_start3A_81] : memref<10000x128xf32, #tpu.memory_space<hbm>> -> memref<16x128xf32, #tpu.memory_space<hbm>>
          %dma_start3A_83 = arith.constant 9984 : i32
          %dma_start3A_84 = arith.constant 0 : i32
          %dma_start3A_85 = tpu.memref_slice %arg9[%dma_start3A_83, %dma_start3A_84] : memref<10000x128xf32, #tpu.memory_space<vmem_shared>> -> memref<16x128xf32, #tpu.memory_space<vmem_shared>>
          tpu.enqueue_dma source(%dma_start3A_85 : memref<16x128xf32, #tpu.memory_space<vmem_shared>>) target(%dma_start3A_82 : memref<16x128xf32, #tpu.memory_space<hbm>>) target_semaphore(%run_scoped3A_79 : memref<!tpu.dma_semaphore, #tpu.memory_space<semaphore_mem>>)
          %dma_wait3A_86 = arith.constant 9984 : i32
          %dma_wait3A_87 = arith.constant 0 : i32
          %dma_wait3A_88 = tpu.memref_slice %arg6[%dma_wait3A_86, %dma_wait3A_87] : memref<10000x128xf32, #tpu.memory_space<hbm>> -> memref<16x128xf32, #tpu.memory_space<hbm>>
          %dma_wait3A_89 = arith.constant 9984 : i32
          %dma_wait3A_90 = arith.constant 0 : i32
          %dma_wait3A_91 = tpu.memref_slice %arg9[%dma_wait3A_89, %dma_wait3A_90] : memref<10000x128xf32, #tpu.memory_space<vmem_shared>> -> memref<16x128xf32, #tpu.memory_space<vmem_shared>>
          tpu.wait_dma2 semaphore(%run_scoped3A_79 : memref<!tpu.dma_semaphore, #tpu.memory_space<semaphore_mem>>) src(%dma_wait3A_91 : memref<16x128xf32, #tpu.memory_space<vmem_shared>>) dst(%dma_wait3A_88 : memref<16x128xf32, #tpu.memory_space<hbm>>)
          tpu.yield
        }) : () -> ()
      } else {
      }
    } else {
    }
    return
  }
}

module attributes {stable_mosaic.version = 14 : i64} {
  func.func @_mm1_body(%arg0: i32, %arg1: memref<2000x128xf32, #tpu.memory_space<vmem>>, %arg2: memref<2000x128xf32, #tpu.memory_space<vmem>>, %arg3: memref<2000x128xf32, #tpu.memory_space<vmem>>, %arg4: memref<2000x16xf32, #tpu.memory_space<vmem>>, %arg5: memref<2000x16xf32, #tpu.memory_space<vmem>>, %arg6: memref<128x128xf32, #tpu.memory_space<vmem>>, %arg7: memref<1x128xf32, #tpu.memory_space<vmem>>, %arg8: memref<2000x128xf32, #tpu.memory_space<vmem>>) attributes {dimension_semantics = [#tpu.dimension_semantics<arbitrary>], iteration_bounds = array<i64: 5>, scalar_prefetch = 0 : i64, scratch_operands = 0 : i64, tpu.core_type = #tpu.core_type<tc>, window_params = [{transform_indices = @transform_0, window_bounds = array<i64: 2000, 128>}, {transform_indices = @transform_1, window_bounds = array<i64: 2000, 128>}, {transform_indices = @transform_2, window_bounds = array<i64: 2000, 128>}, {transform_indices = @transform_3, window_bounds = array<i64: 2000, 16>}, {transform_indices = @transform_4, window_bounds = array<i64: 2000, 16>}, {pipeline_mode = #tpu.pipeline_mode<synchronous>, transform_indices = @transform_5, window_bounds = array<i64: 128, 128>}, {pipeline_mode = #tpu.pipeline_mode<synchronous>, transform_indices = @transform_6, window_bounds = array<i64: 1, 128>}, {transform_indices = @transform_7, window_bounds = array<i64: 2000, 128>}]} {
    %get3A = arith.constant 0 : index
    %get3A_0 = arith.constant 0 : index
    %get3A_1 = vector.load %arg4[%get3A, %get3A_0] : memref<2000x16xf32, #tpu.memory_space<vmem>>, vector<2000x1xf32>
    %get3A_2 = arith.constant 0 : index
    %get3A_3 = arith.constant 0 : index
    %get3A_4 = vector.load %arg5[%get3A_2, %get3A_3] : memref<2000x16xf32, #tpu.memory_space<vmem>>, vector<2000x1xf32>
    %add3A = arith.addf %get3A_1, %get3A_4 : vector<2000x1xf32>
    %add3A_5 = arith.constant 1.000000e+00 : f32
    %add3A_6 = vector.broadcast %add3A_5 : f32 to vector<2000x1xf32>
    %add3A_7 = arith.addf %add3A, %add3A_6 : vector<2000x1xf32>
    %get3A_8 = arith.constant 0 : index
    %get3A_9 = arith.constant 0 : index
    %get3A_10 = vector.load %arg1[%get3A_8, %get3A_9] : memref<2000x128xf32, #tpu.memory_space<vmem>>, vector<2000x128xf32>
    %get3A_11 = arith.constant 0 : index
    %get3A_12 = arith.constant 0 : index
    %get3A_13 = vector.load %arg2[%get3A_11, %get3A_12] : memref<2000x128xf32, #tpu.memory_space<vmem>>, vector<2000x128xf32>
    %add3A_14 = arith.addf %get3A_10, %get3A_13 : vector<2000x128xf32>
    %get3A_15 = arith.constant 0 : index
    %get3A_16 = arith.constant 0 : index
    %get3A_17 = vector.load %arg3[%get3A_15, %get3A_16] : memref<2000x128xf32, #tpu.memory_space<vmem>>, vector<2000x128xf32>
    %add3A_18 = arith.addf %add3A_14, %get3A_17 : vector<2000x128xf32>
    %div3A = vector.broadcast %add3A_7 : vector<2000x1xf32> to vector<2000x128xf32>
    %div3A_19 = arith.divf %add3A_18, %div3A : vector<2000x128xf32>
    %get3A_20 = arith.constant 0 : index
    %get3A_21 = arith.constant 0 : index
    %get3A_22 = vector.load %arg6[%get3A_20, %get3A_21] : memref<128x128xf32, #tpu.memory_space<vmem>>, vector<128x128xf32>
    %dot_general3A = arith.constant dense<0.000000e+00> : vector<2000x128xf32>
    %dot_general3A_23 = tpu.matmul %div3A_19, %get3A_22, %dot_general3A {dimension_numbers = #tpu.dot_dimension_numbers<[1], [1], [0], [0], [0, 0, 1, 0], [], []>, transpose_lhs_hint = false} : vector<2000x128xf32>, vector<128x128xf32>, vector<2000x128xf32> -> vector<2000x128xf32>
    %get3A_24 = arith.constant 0 : index
    %get3A_25 = arith.constant 0 : index
    %get3A_26 = vector.load %arg7[%get3A_24, %get3A_25] : memref<1x128xf32, #tpu.memory_space<vmem>>, vector<1x128xf32>
    %add3A_27 = vector.broadcast %get3A_26 : vector<1x128xf32> to vector<2000x128xf32>
    %add3A_28 = arith.addf %dot_general3A_23, %add3A_27 : vector<2000x128xf32>
    %max3A = arith.constant 0.000000e+00 : f32
    %max3A_29 = vector.broadcast %max3A : f32 to vector<2000x128xf32>
    %max3A_30 = arith.maximumf %add3A_28, %max3A_29 : vector<2000x128xf32>
    %swap3A = arith.constant 0 : index
    %swap3A_31 = arith.constant 0 : index
    %swap3A_32 = vector.load %arg8[%swap3A, %swap3A_31] : memref<2000x128xf32, #tpu.memory_space<vmem>>, vector<2000x128xf32>
    tpu.vector_store %arg8[%swap3A, %swap3A_31], %max3A_30 {strides = array<i32>} : memref<2000x128xf32, #tpu.memory_space<vmem>>, vector<2000x128xf32>,
    return
  }
  func.func @transform_0(%arg0: i32) -> (i32, i32) {
    %c0_i32 = arith.constant 0 : i32
    %c0_i32_0 = arith.constant 0 : i32
    return %arg0, %c0_i32 : i32, i32
  }
  func.func @transform_1(%arg0: i32) -> (i32, i32) {
    %c0_i32 = arith.constant 0 : i32
    %c0_i32_0 = arith.constant 0 : i32
    return %arg0, %c0_i32 : i32, i32
  }
  func.func @transform_2(%arg0: i32) -> (i32, i32) {
    %c0_i32 = arith.constant 0 : i32
    %c0_i32_0 = arith.constant 0 : i32
    return %arg0, %c0_i32 : i32, i32
  }
  func.func @transform_3(%arg0: i32) -> (i32, i32) {
    %c0_i32 = arith.constant 0 : i32
    %c0_i32_0 = arith.constant 0 : i32
    return %arg0, %c0_i32 : i32, i32
  }
  func.func @transform_4(%arg0: i32) -> (i32, i32) {
    %c0_i32 = arith.constant 0 : i32
    %c0_i32_0 = arith.constant 0 : i32
    return %arg0, %c0_i32 : i32, i32
  }
  func.func @transform_5(%arg0: i32) -> (i32, i32) {
    %c0_i32 = arith.constant 0 : i32
    %c0_i32_0 = arith.constant 0 : i32
    %c0_i32_1 = arith.constant 0 : i32
    return %c0_i32, %c0_i32_0 : i32, i32
  }
  func.func @transform_6(%arg0: i32) -> (i32, i32) {
    %c0_i32 = arith.constant 0 : i32
    %c0_i32_0 = arith.constant 0 : i32
    %c0_i32_1 = arith.constant 0 : i32
    return %c0_i32, %c0_i32_0 : i32, i32
  }
  func.func @transform_7(%arg0: i32) -> (i32, i32) {
    %c0_i32 = arith.constant 0 : i32
    %c0_i32_0 = arith.constant 0 : i32
    return %arg0, %c0_i32 : i32, i32
  }
}

module attributes {stable_mosaic.version = 14 : i64} {
  func.func @_mm2_body(%arg0: i32, %arg1: memref<2000x128xf32, #tpu.memory_space<vmem>>, %arg2: memref<2000x128xf32, #tpu.memory_space<vmem>>, %arg3: memref<2000x128xf32, #tpu.memory_space<vmem>>, %arg4: memref<2000x16xf32, #tpu.memory_space<vmem>>, %arg5: memref<2000x16xf32, #tpu.memory_space<vmem>>, %arg6: memref<128x128xf32, #tpu.memory_space<vmem>>, %arg7: memref<1x128xf32, #tpu.memory_space<vmem>>, %arg8: memref<128x128xf32, #tpu.memory_space<vmem>>, %arg9: memref<128x128xf32, #tpu.memory_space<vmem>>, %arg10: memref<1x128xf32, #tpu.memory_space<vmem>>, %arg11: memref<2000x128xf32, #tpu.memory_space<vmem>>) attributes {dimension_semantics = [#tpu.dimension_semantics<arbitrary>], iteration_bounds = array<i64: 5>, scalar_prefetch = 0 : i64, scratch_operands = 0 : i64, tpu.core_type = #tpu.core_type<tc>, window_params = [{transform_indices = @transform_0, window_bounds = array<i64: 2000, 128>}, {transform_indices = @transform_1, window_bounds = array<i64: 2000, 128>}, {transform_indices = @transform_2, window_bounds = array<i64: 2000, 128>}, {transform_indices = @transform_3, window_bounds = array<i64: 2000, 16>}, {transform_indices = @transform_4, window_bounds = array<i64: 2000, 16>}, {pipeline_mode = #tpu.pipeline_mode<synchronous>, transform_indices = @transform_5, window_bounds = array<i64: 128, 128>}, {pipeline_mode = #tpu.pipeline_mode<synchronous>, transform_indices = @transform_6, window_bounds = array<i64: 1, 128>}, {pipeline_mode = #tpu.pipeline_mode<synchronous>, transform_indices = @transform_7, window_bounds = array<i64: 128, 128>}, {pipeline_mode = #tpu.pipeline_mode<synchronous>, transform_indices = @transform_8, window_bounds = array<i64: 128, 128>}, {pipeline_mode = #tpu.pipeline_mode<synchronous>, transform_indices = @transform_9, window_bounds = array<i64: 1, 128>}, {transform_indices = @transform_10, window_bounds = array<i64: 2000, 128>}]} {
    %get3A = arith.constant 0 : index
    %get3A_0 = arith.constant 0 : index
    %get3A_1 = vector.load %arg4[%get3A, %get3A_0] : memref<2000x16xf32, #tpu.memory_space<vmem>>, vector<2000x1xf32>
    %get3A_2 = arith.constant 0 : index
    %get3A_3 = arith.constant 0 : index
    %get3A_4 = vector.load %arg5[%get3A_2, %get3A_3] : memref<2000x16xf32, #tpu.memory_space<vmem>>, vector<2000x1xf32>
    %add3A = arith.addf %get3A_1, %get3A_4 : vector<2000x1xf32>
    %add3A_5 = arith.constant 1.000000e+00 : f32
    %add3A_6 = vector.broadcast %add3A_5 : f32 to vector<2000x1xf32>
    %add3A_7 = arith.addf %add3A, %add3A_6 : vector<2000x1xf32>
    %get3A_8 = arith.constant 0 : index
    %get3A_9 = arith.constant 0 : index
    %get3A_10 = vector.load %arg1[%get3A_8, %get3A_9] : memref<2000x128xf32, #tpu.memory_space<vmem>>, vector<2000x128xf32>
    %get3A_11 = arith.constant 0 : index
    %get3A_12 = arith.constant 0 : index
    %get3A_13 = vector.load %arg2[%get3A_11, %get3A_12] : memref<2000x128xf32, #tpu.memory_space<vmem>>, vector<2000x128xf32>
    %add3A_14 = arith.addf %get3A_10, %get3A_13 : vector<2000x128xf32>
    %get3A_15 = arith.constant 0 : index
    %get3A_16 = arith.constant 0 : index
    %get3A_17 = vector.load %arg3[%get3A_15, %get3A_16] : memref<2000x128xf32, #tpu.memory_space<vmem>>, vector<2000x128xf32>
    %add3A_18 = arith.addf %add3A_14, %get3A_17 : vector<2000x128xf32>
    %div3A = vector.broadcast %add3A_7 : vector<2000x1xf32> to vector<2000x128xf32>
    %div3A_19 = arith.divf %add3A_18, %div3A : vector<2000x128xf32>
    %get3A_20 = arith.constant 0 : index
    %get3A_21 = arith.constant 0 : index
    %get3A_22 = vector.load %arg6[%get3A_20, %get3A_21] : memref<128x128xf32, #tpu.memory_space<vmem>>, vector<128x128xf32>
    %dot_general3A = arith.constant dense<0.000000e+00> : vector<2000x128xf32>
    %dot_general3A_23 = tpu.matmul %div3A_19, %get3A_22, %dot_general3A {dimension_numbers = #tpu.dot_dimension_numbers<[1], [1], [0], [0], [0, 0, 1, 0], [], []>, transpose_lhs_hint = false} : vector<2000x128xf32>, vector<128x128xf32>, vector<2000x128xf32> -> vector<2000x128xf32>
    %get3A_24 = arith.constant 0 : index
    %get3A_25 = arith.constant 0 : index
    %get3A_26 = vector.load %arg7[%get3A_24, %get3A_25] : memref<1x128xf32, #tpu.memory_space<vmem>>, vector<1x128xf32>
    %add3A_27 = vector.broadcast %get3A_26 : vector<1x128xf32> to vector<2000x128xf32>
    %add3A_28 = arith.addf %dot_general3A_23, %add3A_27 : vector<2000x128xf32>
    %max3A = arith.constant 0.000000e+00 : f32
    %max3A_29 = vector.broadcast %max3A : f32 to vector<2000x128xf32>
    %max3A_30 = arith.maximumf %add3A_28, %max3A_29 : vector<2000x128xf32>
    %get3A_31 = arith.constant 0 : index
    %get3A_32 = arith.constant 0 : index
    %get3A_33 = vector.load %arg3[%get3A_31, %get3A_32] : memref<2000x128xf32, #tpu.memory_space<vmem>>, vector<2000x128xf32>
    %get3A_34 = arith.constant 0 : index
    %get3A_35 = arith.constant 0 : index
    %get3A_36 = vector.load %arg8[%get3A_34, %get3A_35] : memref<128x128xf32, #tpu.memory_space<vmem>>, vector<128x128xf32>
    %dot_general3A_37 = arith.constant dense<0.000000e+00> : vector<2000x128xf32>
    %dot_general3A_38 = tpu.matmul %get3A_33, %get3A_36, %dot_general3A_37 {dimension_numbers = #tpu.dot_dimension_numbers<[1], [1], [0], [0], [0, 0, 1, 0], [], []>, transpose_lhs_hint = false} : vector<2000x128xf32>, vector<128x128xf32>, vector<2000x128xf32> -> vector<2000x128xf32>
    %get3A_39 = arith.constant 0 : index
    %get3A_40 = arith.constant 0 : index
    %get3A_41 = vector.load %arg9[%get3A_39, %get3A_40] : memref<128x128xf32, #tpu.memory_space<vmem>>, vector<128x128xf32>
    %dot_general3A_42 = arith.constant dense<0.000000e+00> : vector<2000x128xf32>
    %dot_general3A_43 = tpu.matmul %max3A_30, %get3A_41, %dot_general3A_42 {dimension_numbers = #tpu.dot_dimension_numbers<[1], [1], [0], [0], [0, 0, 1, 0], [], []>, transpose_lhs_hint = false} : vector<2000x128xf32>, vector<128x128xf32>, vector<2000x128xf32> -> vector<2000x128xf32>
    %add3A_44 = arith.addf %dot_general3A_38, %dot_general3A_43 : vector<2000x128xf32>
    %get3A_45 = arith.constant 0 : index
    %get3A_46 = arith.constant 0 : index
    %get3A_47 = vector.load %arg10[%get3A_45, %get3A_46] : memref<1x128xf32, #tpu.memory_space<vmem>>, vector<1x128xf32>
    %add3A_48 = vector.broadcast %get3A_47 : vector<1x128xf32> to vector<2000x128xf32>
    %add3A_49 = arith.addf %add3A_44, %add3A_48 : vector<2000x128xf32>
    %swap3A = arith.constant 0 : index
    %swap3A_50 = arith.constant 0 : index
    %swap3A_51 = vector.load %arg11[%swap3A, %swap3A_50] : memref<2000x128xf32, #tpu.memory_space<vmem>>, vector<2000x128xf32>
    tpu.vector_store %arg11[%swap3A, %swap3A_50], %add3A_49 {strides = array<i32>} : memref<2000x128xf32, #tpu.memory_space<vmem>>, vector<2000x128xf32>,
    return
  }
  func.func @transform_0(%arg0: i32) -> (i32, i32) {
    %c0_i32 = arith.constant 0 : i32
    %c0_i32_0 = arith.constant 0 : i32
    return %arg0, %c0_i32 : i32, i32
  }
  func.func @transform_1(%arg0: i32) -> (i32, i32) {
    %c0_i32 = arith.constant 0 : i32
    %c0_i32_0 = arith.constant 0 : i32
    return %arg0, %c0_i32 : i32, i32
  }
  func.func @transform_2(%arg0: i32) -> (i32, i32) {
    %c0_i32 = arith.constant 0 : i32
    %c0_i32_0 = arith.constant 0 : i32
    return %arg0, %c0_i32 : i32, i32
  }
  func.func @transform_3(%arg0: i32) -> (i32, i32) {
    %c0_i32 = arith.constant 0 : i32
    %c0_i32_0 = arith.constant 0 : i32
    return %arg0, %c0_i32 : i32, i32
  }
  func.func @transform_4(%arg0: i32) -> (i32, i32) {
    %c0_i32 = arith.constant 0 : i32
    %c0_i32_0 = arith.constant 0 : i32
    return %arg0, %c0_i32 : i32, i32
  }
  func.func @transform_5(%arg0: i32) -> (i32, i32) {
    %c0_i32 = arith.constant 0 : i32
    %c0_i32_0 = arith.constant 0 : i32
    %c0_i32_1 = arith.constant 0 : i32
    return %c0_i32, %c0_i32_0 : i32, i32
  }
  func.func @transform_6(%arg0: i32) -> (i32, i32) {
    %c0_i32 = arith.constant 0 : i32
    %c0_i32_0 = arith.constant 0 : i32
    %c0_i32_1 = arith.constant 0 : i32
    return %c0_i32, %c0_i32_0 : i32, i32
  }
  func.func @transform_7(%arg0: i32) -> (i32, i32) {
    %c0_i32 = arith.constant 0 : i32
    %c0_i32_0 = arith.constant 0 : i32
    %c0_i32_1 = arith.constant 0 : i32
    return %c0_i32, %c0_i32_0 : i32, i32
  }
  func.func @transform_8(%arg0: i32) -> (i32, i32) {
    %c0_i32 = arith.constant 0 : i32
    %c0_i32_0 = arith.constant 0 : i32
    %c0_i32_1 = arith.constant 0 : i32
    return %c0_i32, %c0_i32_0 : i32, i32
  }
  func.func @transform_9(%arg0: i32) -> (i32, i32) {
    %c0_i32 = arith.constant 0 : i32
    %c0_i32_0 = arith.constant 0 : i32
    %c0_i32_1 = arith.constant 0 : i32
    return %c0_i32, %c0_i32_0 : i32, i32
  }
  func.func @transform_10(%arg0: i32) -> (i32, i32) {
    %c0_i32 = arith.constant 0 : i32
    %c0_i32_0 = arith.constant 0 : i32
    return %arg0, %c0_i32 : i32, i32
  }
}

</mosaic_0001>

<sc_bundles>
// kernel: kernel.10.cloned.1.call-start
scs
__scs_entry_jumppad:
0x0: {  	(pc) =	sbr.rel $0x88, $3  }
0x1: {  	(tag) =	ssettag $0x0;
	lr =	simm.s32 $0x1  }
0x2: {  	[smem:$0x3F99] =	sst lr;
	_ =	strace $0xD0000000  }
0x3: {  	_ = 	snop  }
0x4: {  	_ = 	snop  }
0x5: {  	_ = 	snop  }
0x6: {  	_ = 	snop  }
0x7: {  	_ = 	snop  }
__scs_overlays_trampoline_lowered:
0x8: {  	[smem:$0x3FA8] =	sst s0  }
0x9: {  	[smem:$0x3FA9] =	sst s1  }
0xa: {  	[smem:$0x3FAA] =	sst s2  }
0xb: {  	[smem:$0x3FAB] =	sst s3  }
0xc: {  	[smem:$0x3FAC] =	sst s4  }
0xd: {  	[smem:$0x3FAD] =	sst s5  }
0xe: {  	[smem:$0x3FAE] =	sst s6  }
0xf: {  	[smem:$0x3FAF] =	sst s7  }
0x10: {  	[smem:$0x3FB0] =	sst s8  }
0x11: {  	[smem:$0x3FB1] =	sst s9;
	s0 =	simm.s32 @!p0 $0x0  }
0x12: {  	s1 =	sld [smem:$0x3F97];
	s0 =	simm.s32 @p0 $0x1  }
0x13: {  	[smem:$0x3FB2] =	sst s0;
	s0 =	simm.s32 @!p1 $0x0  }
0x14: {  	s2 =	sld [smem:$0x3F96];
	s0 =	simm.s32 @p1 $0x1  }
0x15: {  	[smem:$0x3FB3] =	sst s0;
	s0 =	simm.s32 @!p2 $0x0  }
0x16: {  	s3 =	sld [smem:$0x3FDB];
	s0 =	simm.s32 @p2 $0x1  }
0x17: {  	s4 =	simm.s32 $0x1BF5;
	[smem:$0x3FB5] =	sst s0  }
0x18: {  	s0 =	sld [smem:$0x3F98];
	_ =	swait.ge [sflag:s4], $0x0  }
0x19: {  	s7 =	sld [smem:$0x3F99]  }
0x1a: {  	s8 =	sadd.s32 $0xFFFFE003, lr  }
0x1b: {  	s9 =	sadd.s32 $0xFFFFFEF7, lr;
	s5 =	simm.s32 $0xFFFFFFFF;
	p2 =	slt.u32 s8, $0xFFFFF086  }
0x1c: {  	p1 =	slt.u32 s9, $0xF7A;
	s5 =	simm.s32 @!p2 $0x0  }
0x1d: {  	s5 =	simm.s32 @p1 $0x1;
	p0 =	seq.s32 s7, s2  }
0x1e: {  	s7 =	smul.u32 @!p0 $0xF7A, s2;
	p2 =	seq.s32 @!p0 s5, $0x0  }
0x1f: {  	s9 =	smul.u32 $0xF7A, s1;
	s8 =	simm.s32 @!p0 $0x1BF5;
	p2 =	por !p2, p0  }
0x20: {  	[sflag:s8] =	ssyncset.s32 @!p0 $0xFFFFF086;
	s6 =	sadd.s32 @!p0 s3, s7;
	s7 =	simm.s32 @!p0 $0x108  }
0x21: {  	s3 =	sadd.s32 s3, s9;
	s6 =	sadd.s32 @!p0 $0x88, s6;
	s7 =	simm.s32 @p2 $0x1082  }
0x22: {  	[simem:s7], [sflag:s8] =	dma.local @!p0 [hbm:s6], $0xF7A  }
0x23: {  	s9 =	sor.u32 $0xD0000000, s2;
	s6 =	simm.s32 $0x108;
	_ =	swait.ge @!p0 [sflag:s8], $0x0  }
0x24: {  	s3 =	sadd.s32 $0x88, s3;
	s6 =	simm.s32 @!p1 $0x1082;
	[sflag:s4] =	ssyncset.s32 $0xFFFFF086  }
0x25: {  	[simem:s6], [sflag:s4] =	dma.local [hbm:s3], $0xF7A  }
0x26: {  	[smem:$0x3F99] =	sst s1;
	(tag) =	ssettag s2;
	_ =	strace s9  }
0x27: {  	s1 =	sld [smem:$0x3FA9]  }
0x28: {  	s2 =	sld [smem:$0x3FAA]  }
0x29: {  	s4 =	sld [smem:$0x3FAC]  }
0x2a: {  	p0 =	seq.s32 s5, $0x0;
	s5 =	sld [smem:$0x3FAD]  }
0x2b: {  	s6 =	sld [smem:$0x3FAE]  }
0x2c: {  	s7 =	sld [smem:$0x3FAF]  }
0x2d: {  	s3 =	simm.s32 $0x108;
	s8 =	sld [smem:$0x3FB0]  }
0x2e: {  	s3 =	simm.s32 @!p0 $0x1082;
	s9 =	sld [smem:$0x3FB1]  }
0x2f: {  	lr =	sadd.s32 s0, s3;
	s0 =	sld [smem:$0x3FA8]  }
0x30: {  	s3 =	sld [smem:$0x3FAB]  }
0x31: {  	[smem:$0x3FB4] =	sst s10  }
0x32: {  	s10 =	sld [smem:$0x3FB2];
	_ =	sdelay $0x3  }
0x33: {  	p0 =	seq.s32 s10, $0x1;
	s10 =	sld [smem:$0x3FB4];
	_ =	sdelay $0x3  }
0x34: {  	[smem:$0x3FB4] =	sst s10  }
0x35: {  	s10 =	sld [smem:$0x3FB3];
	_ =	sdelay $0x3  }
0x36: {  	p1 =	seq.s32 s10, $0x1;
	s10 =	sld [smem:$0x3FB4];
	_ =	sdelay $0x3  }
0x37: {  	[smem:$0x3FB4] =	sst s10  }
0x38: {  	s10 =	sld [smem:$0x3FB5]  }
0x39: {  	_ = 	snop;
	(pc) =	sbr.ind lr, $3  }
0x3a: {  	_ = 	snop  }
0x3b: {  	_ = 	snop  }
0x3c: {  	p2 =	seq.s32 s10, $0x1;
	s10 =	sld [smem:$0x3FB4]  }
0x3d: {  	_ =	shalt  }
0x3e: {  	_ =	shalt  }
0x3f: {  	_ =	shalt  }
0x40: {  	_ =	shalt  }
0x41: {  	_ =	shalt  }
0x42: {  	_ =	shalt  }
0x43: {  	_ =	shalt  }
0x44: {  	_ =	shalt  }
0x45: {  	_ =	shalt  }
0x46: {  	_ =	shalt  }
0x47: {  	_ =	shalt  }
0x48: {  	_ =	shalt  }
0x49: {  	_ =	shalt  }
0x4a: {  	_ =	shalt  }
0x4b: {  	_ =	shalt  }
0x4c: {  	_ =	shalt  }
0x4d: {  	_ =	shalt  }
0x4e: {  	_ =	shalt  }
0x4f: {  	_ =	shalt  }
0x50: {  	_ =	shalt  }
0x51: {  	_ =	shalt  }
0x52: {  	_ =	shalt  }
0x53: {  	_ =	shalt  }
0x54: {  	_ =	shalt  }
0x55: {  	_ =	shalt  }
0x56: {  	_ =	shalt  }
0x57: {  	_ =	shalt  }
0x58: {  	_ =	shalt  }
0x59: {  	_ =	shalt  }
0x5a: {  	_ =	shalt  }
0x5b: {  	_ =	shalt  }
0x5c: {  	_ =	shalt  }
0x5d: {  	_ =	shalt  }
0x5e: {  	_ =	shalt  }
0x5f: {  	_ =	shalt  }
0x60: {  	_ =	shalt  }
0x61: {  	_ =	shalt  }
0x62: {  	_ =	shalt  }
0x63: {  	_ =	shalt  }
0x64: {  	_ =	shalt  }
0x65: {  	_ =	shalt  }
0x66: {  	_ =	shalt  }
0x67: {  	_ =	shalt  }
0x68: {  	_ =	shalt  }
0x69: {  	_ =	shalt  }
0x6a: {  	_ =	shalt  }
0x6b: {  	_ =	shalt  }
0x6c: {  	_ =	shalt  }
0x6d: {  	_ =	shalt  }
0x6e: {  	_ =	shalt  }
0x6f: {  	_ =	shalt  }
0x70: {  	_ =	shalt  }
0x71: {  	_ =	shalt  }
0x72: {  	_ =	shalt  }
0x73: {  	_ =	shalt  }
0x74: {  	_ =	shalt  }
0x75: {  	_ =	shalt  }
0x76: {  	_ =	shalt  }
0x77: {  	_ =	shalt  }
0x78: {  	_ =	shalt  }
0x79: {  	_ =	shalt  }
0x7a: {  	_ =	shalt  }
0x7b: {  	_ =	shalt  }
0x7c: {  	_ =	shalt  }
0x7d: {  	_ =	shalt  }
0x7e: {  	_ =	shalt  }
0x7f: {  	_ =	shalt  }
0x80: {  	_ =	shalt  }
0x81: {  	_ =	shalt  }
0x82: {  	_ =	shalt  }
0x83: {  	_ =	shalt  }
0x84: {  	_ =	shalt  }
0x85: {  	_ =	shalt  }
0x86: {  	_ =	shalt  }
0x87: {  	_ =	shalt  }
.Lfunc_end0:
.L_simem_size_0:
called_computation.1_lowered:
.L_overlay_start_0:
0x88: {  	s2 =	sld [smem:$0x3FD9]  }
0x89: {  	s3 =	sld [smem:$0x3FFE];
	_ =	sdelay $0x1  }
0x8a: {  	s1 =	srdreg.scid  }
0x8b: {  	s0 =	sand.u32 $0x1, s1  }
0x8c: {  	s17 =	sshll.u32 s0, $0xA;
	s2 =	sadd.s32 s3, s2  }
0x8d: {  	s2 =	sadd.s32 s2, s17  }
0x8e: {  	[smem:$0x3FC0] =	sst s2  }
0x8f: {  	_ = 	snop  }
0x90: {  	s4 =	sld [smem:$0x3FC9]  }
0x91: {  	s18 =	sld [smem:$0x3FD0];
	(tm) =	ssettm $0x1  }
0x92: {  	s19 =	sld [smem:$0x3FFB];
	_ =	sdelay $0x3  }
0x93: {  	_ =	strace s19  }
0x94: {  	s2 =	sld [smem:$0x3FFC];
	_ =	sdelay $0x3  }
0x95: {  	_ =	strace s2  }
0x96: {  	s2 =	sld [smem:$0x3FFD];
	_ =	sdelay $0x3  }
0x97: {  	_ =	strace s2  }
0x98: {  	_ =	strace $0x8FFFFFFF  }
0x99: {  	s20 =	sld [smem:$0x3FDB];
	_ =	sdelay $0x1  }
0x9a: {  	s5 =	simm.s32 $_scs_section_size  }
0x9b: {  	s6 =	simm.s32 $_size__tile_overlayer_lowered;
	s7 =	simm.s32 $_tile_overlayer_lowered  }
0x9c: {  	s8 =	simm.s32 $0x1BFF;
	s21 =	sshll.u32 s7, $0x1;
	s5 =	sadd.s32 s5, s20  }
0x9d: {  	s22 =	simm.s32 $0x0;
	s6 =	sshll.u32 s6, $0x1;
	s7 =	sadd.s32 s21, s5  }
0x9e: {  	[timem:s22], [sflag:s8] =	dma.local [hbm:s7], s6  }
0x9f: {  	_ =	swait.ge [sflag:s8], s6  }
0xa0: {  	s6 =	ssub.s32 $0x0, s6;
	[sflag:s8] =	ssyncset.done $0x0  }
0xa1: {  	[sflag:s8] =	ssyncadd.s32 s6;
	_ =	sdelay $0x1  }
0xa2: {  	s23 =	simm.s32 $0x1B8B  }
0xa3: {  	_ =	swait.ge [sflag:s23], $0x1  }
0xa4: {  	[sflag:s23] =	ssyncset.done $0x0  }
0xa5: {  	[sflag:s23] =	ssyncadd.s32 $0xFFFFFFFF  }
0xa6: {  	s6 =	sld [smem:$0x0]  }
0xa7: {  	s7 =	sand.u32 $0xFFFFFFFE, s1  }
0xa8: {  	p0 =	sne.s32 s1, s7  }
0xa9: {  	s7 =	sshll.u32 @p0 s7, $0xE  }
0xaa: {  	s7 =	sadd.s32 @p0 $0x11B8D, s7;
	s8 =	sshll.u32 @p0 s6, $0x11  }
0xab: {  	s7 =	sor.u32 @p0 s8, s7  }
0xac: {  	[sflag:s7] =	ssyncadd.remote.s32 @p0 $0x1;
	_ =	sdelay $0x1  }
0xad: {  	s7 =	simm.s32 @p0 $0x1B8D  }
0xae: {  	_ =	swait.eq @p0 [sflag:s7], $0x1  }
0xaf: {  	[sflag:s7] =	ssyncadd.s32 @p0 $0xFFFFFFFF  }
0xb0: {  	s8 =	sshll.u32 @!p0 s1, $0xE  }
0xb1: {  	s8 =	sor.u32 @!p0 $0x4000, s8;
	s7 =	simm.s32 @!p0 $0x1B8D  }
0xb2: {  	s6 =	sshll.u32 @!p0 s6, $0x11;
	s8 =	sadd.s32 @!p0 $0x11B8D, s8;
	_ =	swait.eq @!p0 [sflag:s7], $0x1  }
0xb3: {  	s6 =	sor.u32 @!p0 s6, s8;
	[sflag:s7] =	ssyncadd.s32 @!p0 $0xFFFFFFFF  }
0xb4: {  	s25 =	simm.s32 $0x1B8E;
	s24 =	sld [smem:$0x3FFE];
	[sflag:s6] =	ssyncadd.remote.s32 @!p0 $0x1  }
0xb5: {  	s26 =	simm.s32 $execute0_lowered;
	[smem:$0x3FD2] =	sst s25  }
0xb6: {  	s7 =	sshll.u32 s26, $0x1;
	_ =	strace $0x80000049;
	[dreg:$0x1] =	wrdreg $0xFFFFFFFF  }
0xb7: {  	s28 =	simm.s32 $_size_execute0_lowered;
	s5 =	sadd.s32 s5, s7;
	[dreg:$0x0] =	wrdreg $0x0  }
0xb8: {  	s7 =	sshll.u32 s28, $0x1;
	[dreg:$0x2] =	wrdreg s5  }
0xb9: {  	[dreg:$0x3] =	wrdreg s7  }
0xba: {  	[dreg:$0x4] =	wrdreg $0xC0  }
0xbb: {  	_ =	task [dreg:s22], $0x5FFFF  }
0xbc: {  	[dreg:$0x1] =	wrdreg $0xFFFFFFFF  }
0xbd: {  	[dreg:$0x0] =	wrdreg $0x60  }
0xbe: {  	[dreg:$0x2] =	wrdreg s4  }
0xbf: {  	[dreg:$0x3] =	wrdreg s24  }
0xc0: {  	[dreg:$0x4] =	wrdreg s18  }
0xc1: {  	[dreg:$0x5] =	wrdreg $0x4F100  }
0xc2: {  	[dreg:$0x6] =	wrdreg $0xA  }
0xc3: {  	_ =	task.clear_ibuf [dreg:s22], $0x7FFFF;
	_ =	strace $0x90000049  }
0xc4: {  	s29 =	simm.s32 $0xA;
	_ =	strace $0x8000004B  }
0xc5: {  	_ =	swait.ge [sflag:s29], $0x1  }
0xc6: {  	[sflag:s29] =	ssyncadd.s32 $0xFFFFFFFF  }
0xc7: {  	_ =	strace $0x9000004B  }
0xc8: {  	_ =	sfence  }
0xc9: {  	s30 =	sld [smem:$0x0];
	_ =	sdelay $0x2  }
0xca: {  	s31 =	sshll.u32 s1, $0xD;
	s1 =	sshrl.u32 s1, $0x2  }
0xcb: {  	s4 =	sand.u32 $0x4000, s31;
	s1 =	sadd.s32 s1, s30  }
0xcc: {  	s0 =	sor.u32 s4, s0;
	s1 =	sshll.u32 s1, $0x11  }
0xcd: {  	s0 =	sor.u32 s1, s0  }
0xce: {  	s0 =	sadd.s32 $0x8F2B, s0  }
0xcf: {  	[sflag:s0] =	ssyncadd.remote.s32 $0x1  }
0xd0: {  	_ =	sfence.sel $0xFFFF  }
0xd1: {  	[dreg:$0x0] =	wrdreg $0xFFFFFFFF;
	(pc) =	sbr.abs _section_cstart, $3  }
0xd2: {  	[dreg:$0x1] =	wrdreg $0xFFFFFFFF  }
0xd3: {  	_ =	task.clear_ibuf [dreg:s22], $0x2FFFF;
	_ =	strace $0x9FFFFFFF  }
0xd4: {  	(tm) =	ssettm $0x7FFFFFFF  }
0xd5: {  	_ =	shalt  }
tec
execute0_lowered:
.L_overlay_start_1:
0x0: {  	(tag) =	ssettag $0x1  }
0x1: {  	s0 =	rddreg [dreg:$0x0]  }
0x2: {  	s1 =	rddreg [dreg:$0x1]  }
0x3: {  	s2 =	srdreg.scid;
	s4 =	stileid.u32  }
0x4: {  	s5 =	rddreg [dreg:$0x2];
	s15 =	simm.s32 $0x18790;
	s19 =	simm.s32 $0x50  }
0x5: {  	s20 =	simm.s32 $0x2710;
	s28 =	simm.s32 $0x3;
	s29 =	simm.s32 $0x2580  }
0x6: {  	s30 =	simm.s32 $0x1AE00;
	s31 =	simm.s32 $0x25D0;
	s9 =	sand.u32 $0x1, s2  }
0x7: {  	s3 =	sshll.u32 s4, $0x1;
	s2 =	rddreg [dreg:$0x3];
	s10 =	smul.u32 $0x13800, s4  }
0x8: {  	s13 =	sadd.s32 $0x27000, s1;
	s14 =	sadd.s32 $0x4E200, s1;
	p0 =	sne.s32 s4, $0x0  }
0x9: {  	s26 =	sshll.u32 s4, $0x6;
	p2 =	seq.s32 s4, $0x0;
	s4 =	simm.s32 $0x0  }
0xa: {  	s6 =	sor.u32 s9, s3;
	s3 =	simm.s32 $0x0;
	s7 =	ssub.s32 $0x2, s9  }
0xb: {  	s18 =	sadd.s32 $0x138000, s2;
	p1 =	seq.s32 s9, $0x1;
	s16 =	sor.u32 $0x1C04, s26  }
0xc: {  	s26 =	simm.s32 $0x2;
	s9 =	simm.s32 $0x2620;
	s6 =	smul.u32 $0x2710, s6  }
0xd: {  	[smem:$0x7FF] =	sst s3;
	s22 =	sshrl.u32 s7, $0x1;
	s11 =	sshrl.u32 s10, $0x3  }
0xe: {  	s12 =	sadd.s32 s10, s2;
	s10 =	sadd.s32 $0x27000, s5;
	_ =	strace $0x8000004A  }
0xf: {  	s23 =	ssub.s32 s7, s22;
	[dreg:$0x5] =	wrdreg s13;
	s24 =	sadd.s32 s13, s11  }
0x10: {  	[dreg:$0x6] =	wrdreg s14;
	s25 =	sadd.s32 s14, s11;
	s14 =	simm.s32 $0x4  }
0x11: {  	s17 =	sshrl.u32 s12, $0x3;
	[dreg:$0x7] =	wrdreg s18;
	s18 =	sshrl.u32 @!p0 s18, $0x3  }
.Ltmp0:
0x12: {  	s22 =	simm.s32 $0x1AEA0;
	[dreg:$0x8] =	wrdreg s24;
	(pc) =	sbr.rel .LBB2_1-.Ltmp0, $4  }
0x13: {  	s12 =	simm.s32 $0x26C0;
	s6 =	sshrl.u32 s6, $0x3;
	[dreg:$0x9] =	wrdreg s25  }
0x14: {  	s13 =	smax.u32 s23, $0x1;
	s24 =	simm.s32 $0x1D6A0;
	s8 =	sadd.s32 s6, s1  }
0x15: {  	s25 =	simm.s32 $0x1;
	s1 =	simm.s32 $0x1AE50;
	s6 =	sadd.s32 $0x4400, s8  }
0x16: {  	s7 =	sadd.s32 $0xE040, s8;
	s8 =	sadd.s32 s5, s11;
	s11 =	simm.s32 $0x2670  }
.LBB2_6:
0x17: {  	s21 =	rddreg [dreg:$0x7]  }
0x18: {  	s5 =	sadd.s32 $0x27000, s5;
	s21 =	sshrl.u32 s21, $0x3  }
0x19: {  	[hbm:s5], [sflag:s16] =	dma.local [spmem:s21], $0x100  }
0x1a: {  	_ =	swait.ge [sflag:s14], $0x100  }
0x1b: {  	[sflag:s14] =	ssyncset.done $0x0  }
0x1c: {  	[sflag:s14] =	ssyncadd.s32 $0xFFFFFF00  }
.LBB2_7:
0x1d: {  	s4 =	sadd.s32 $0x1, s4  }
0x1e: {  	p3 =	sne.s32 s4, s13  }
.Ltmp1:
0x1f: {  	_ = 	snop;
	(pc) =	sbr.rel @!p3 .LBB2_8-.Ltmp1, $1  }
0x20: {  	_ =	sdelay $0x3  }
.LBB2_1:
0x21: {  	[tilespmem:s3], [sflag:$0x4] =	stream.linear.gather [hbm4b:s6+s3], $0x2710, $0x38;
	[tilespmem:$0x1FEA0] =	vst v63  }
0x22: {  	_ =	swait.ge [sflag:s14], $0x2710  }
0x23: {  	[sflag:s14] =	ssyncset.done $0x0  }
0x24: {  	[sflag:s14] =	ssyncadd.s32 $0xFFFFD8F0  }
0x25: {  	[tilespmem:s15], [sflag:$0x4] =	stream.linear.gather [hbm4b:s7+s3], $0x2710, $0x38;
	[tilespmem:$0x1FEA0] =	vst v63  }
0x26: {  	_ =	swait.ge [sflag:s14], $0x2710  }
0x27: {  	[sflag:s14] =	ssyncset.done $0x0  }
0x28: {  	[sflag:s14] =	ssyncadd.s32 $0xFFFFD8F0  }
0x29: {  	[spmem:s17], [sflag:s16] =	dma.local [hbm:s8], $0x2700  }
0x2a: {  	_ =	swait.ge [sflag:s14], $0x2700  }
0x2b: {  	[sflag:s14] =	ssyncset.done $0x0  }
0x2c: {  	s5 =	simm.s32 @!p0 $0x4;
	[sflag:s14] =	ssyncadd.s32 $0xFFFFD900  }
0x2d: {  	[spmem:s18], [sflag:s16] =	dma.local @!p0 [hbm:s10], $0x100  }
0x2e: {  	_ =	swait.ge @!p0 [sflag:s5], $0x100  }
0x2f: {  	[sflag:s5] =	ssyncset.done @!p0 $0x0  }
0x30: {  	[sflag:s5] =	ssyncadd.s32 @!p0 $0xFFFFFF00  }
0x31: {  	[bflag:$0x0] =	sbarrier.arrive $0xFFFF  }
0x32: {  	[tilespmem:s20], [sflag:$0x1] =	stream.indirect.gather [hbm4b:s0+s19], $0x80, s15, s19, $0xb8;
	[tilespmem:$0x1FEA0] =	vst v63  }
0x33: {  	s23 =	simm.s32 $0x187E0  }
0x34: {  	[tilespmem:s22], [sflag:$0x2] =	stream.indirect.gather [hbm4b:s0+s19], $0x80, s23, s19, $0xb8;
	[tilespmem:$0x1FEA0] =	vst v63  }
0x35: {  	s21 =	simm.s32 $0x18830  }
0x36: {  	[tilespmem:s24], [sflag:$0x3] =	stream.indirect.gather [hbm4b:s0+s19], $0x80, s21, s19, $0xb8;
	[tilespmem:$0x1FEA0] =	vst v63  }
0x37: {  	_ =	swait.ge [sflag:s25], $0x2800  }
0x38: {  	[sflag:s25] =	ssyncset.done $0x0  }
0x39: {  	s23 =	simm.s32 $0x0;
	[sflag:s25] =	ssyncadd.s32 $0xFFFFD800  }
0x3a: {  	[spmem:s2] =	stream.indirect.scatter.add.f32 [tilespmem:s20], [sflag:$0x4], $0x80, s23, s19, $0xb8;
	[tilespmem:$0x1FEA0] =	vst v63  }
0x3b: {  	_ =	swait.ge [sflag:s14], $0x2800  }
0x3c: {  	[sflag:s14] =	ssyncset.done $0x0  }
0x3d: {  	s21 =	simm.s32 $0x18880;
	[sflag:s14] =	ssyncadd.s32 $0xFFFFD800  }
0x3e: {  	[tilespmem:s20], [sflag:$0x1] =	stream.indirect.gather [hbm4b:s0+s19], $0x80, s21, s19, $0xb8;
	[tilespmem:$0x1FEA0] =	vst v63  }
0x3f: {  	_ =	swait.ge [sflag:s26], $0x2800  }
0x40: {  	[sflag:s26] =	ssyncset.done $0x0  }
0x41: {  	s23 =	simm.s32 $0x50;
	[sflag:s26] =	ssyncadd.s32 $0xFFFFD800  }
0x42: {  	[spmem:s2] =	stream.indirect.scatter.add.f32 [tilespmem:s22], [sflag:$0x4], $0x80, s23, s19, $0xb8;
	[tilespmem:$0x1FEA0] =	vst v63  }
0x43: {  	_ =	swait.ge [sflag:s14], $0x2800  }
0x44: {  	[sflag:s14] =	ssyncset.done $0x0  }
0x45: {  	s21 =	simm.s32 $0x188D0;
	[sflag:s14] =	ssyncadd.s32 $0xFFFFD800  }
0x46: {  	[tilespmem:s22], [sflag:$0x2] =	stream.indirect.gather [hbm4b:s0+s19], $0x80, s21, s19, $0xb8;
	[tilespmem:$0x1FEA0] =	vst v63  }
0x47: {  	_ =	swait.ge [sflag:s28], $0x2800  }
0x48: {  	[sflag:s28] =	ssyncset.done $0x0  }
0x49: {  	s23 =	simm.s32 $0xA0;
	[sflag:s28] =	ssyncadd.s32 $0xFFFFD800  }
0x4a: {  	[spmem:s2] =	stream.indirect.scatter.add.f32 [tilespmem:s24], [sflag:$0x4], $0x80, s23, s19, $0xb8;
	[tilespmem:$0x1FEA0] =	vst v63  }
0x4b: {  	_ =	swait.ge [sflag:s14], $0x2800  }
0x4c: {  	[sflag:s14] =	ssyncset.done $0x0  }
0x4d: {  	s5 =	simm.s32 $0x18920;
	s21 =	simm.s32 $0x3C0;
	[sflag:s14] =	ssyncadd.s32 $0xFFFFD800  }
.LBB2_2:
0x4e: {  	[tilespmem:s24], [sflag:$0x3] =	stream.indirect.gather [hbm4b:s0+s19], $0x80, s5, s19, $0xb8;
	[tilespmem:$0x1FEA0] =	vst v63  }
0x4f: {  	s5 =	smov.u32 s21  }
0x50: {  	p3 =	sne.s32 s21, $0x9240;
	s21 =	sadd.s32 $0x3C0, s21;
	_ =	swait.ge [sflag:s25], $0x2800  }
0x51: {  	[sflag:s25] =	ssyncset.done $0x0  }
0x52: {  	s5 =	sshra.s32 s5, $0x2;
	[sflag:s25] =	ssyncadd.s32 $0xFFFFD800  }
0x53: {  	[spmem:s2] =	stream.indirect.scatter.add.f32 [tilespmem:s20], [sflag:$0x4], $0x80, s5, s19, $0xb8;
	[tilespmem:$0x1FEA0] =	vst v63  }
0x54: {  	_ =	swait.ge [sflag:s14], $0x2800  }
0x55: {  	[sflag:s14] =	ssyncset.done $0x0  }
0x56: {  	s23 =	sadd.s32 $0x18880, s5;
	[sflag:s14] =	ssyncadd.s32 $0xFFFFD800  }
0x57: {  	[tilespmem:s20], [sflag:$0x1] =	stream.indirect.gather [hbm4b:s0+s19], $0x80, s23, s19, $0xb8;
	[tilespmem:$0x1FEA0] =	vst v63  }
0x58: {  	_ =	swait.ge [sflag:s26], $0x2800  }
0x59: {  	[sflag:s26] =	ssyncset.done $0x0  }
0x5a: {  	s23 =	sadd.s32 $0x50, s5;
	[sflag:s26] =	ssyncadd.s32 $0xFFFFD800  }
0x5b: {  	[spmem:s2] =	stream.indirect.scatter.add.f32 [tilespmem:s22], [sflag:$0x4], $0x80, s23, s19, $0xb8;
	[tilespmem:$0x1FEA0] =	vst v63  }
0x5c: {  	_ =	swait.ge [sflag:s14], $0x2800  }
0x5d: {  	[sflag:s14] =	ssyncset.done $0x0  }
0x5e: {  	s23 =	sadd.s32 $0x188D0, s5;
	[sflag:s14] =	ssyncadd.s32 $0xFFFFD800  }
0x5f: {  	[tilespmem:s22], [sflag:$0x2] =	stream.indirect.gather [hbm4b:s0+s19], $0x80, s23, s19, $0xb8;
	[tilespmem:$0x1FEA0] =	vst v63  }
0x60: {  	_ =	swait.ge [sflag:s28], $0x2800  }
0x61: {  	[sflag:s28] =	ssyncset.done $0x0  }
.Ltmp2:
0x62: {  	s23 =	sadd.s32 $0xA0, s5;
	[sflag:s28] =	ssyncadd.s32 $0xFFFFD800;
	(pc) =	sbr.rel @p3 .LBB2_2-.Ltmp2, $4  }
0x63: {  	[spmem:s2] =	stream.indirect.scatter.add.f32 [tilespmem:s24], [sflag:$0x4], $0x80, s23, s19, $0xb8;
	[tilespmem:$0x1FEA0] =	vst v63  }
0x64: {  	_ =	swait.ge [sflag:s14], $0x2800  }
0x65: {  	[sflag:s14] =	ssyncset.done $0x0  }
0x66: {  	s5 =	sadd.s32 $0x18920, s5;
	[sflag:s14] =	ssyncadd.s32 $0xFFFFD800  }
0x67: {  	[tilespmem:s24], [sflag:$0x3] =	stream.indirect.gather [hbm4b:s0+s19], $0x80, s5, s19, $0xb8;
	[tilespmem:$0x1FEA0] =	vst v63  }
0x68: {  	_ =	swait.ge [sflag:s25], $0x2800  }
0x69: {  	[sflag:s25] =	ssyncset.done $0x0  }
0x6a: {  	[sflag:s25] =	ssyncadd.s32 $0xFFFFD800  }
0x6b: {  	[spmem:s2] =	stream.indirect.scatter.add.f32 [tilespmem:s20], [sflag:$0x4], $0x80, s29, s19, $0xb8;
	[tilespmem:$0x1FEA0] =	vst v63  }
0x6c: {  	_ =	swait.ge [sflag:s14], $0x2800  }
0x6d: {  	[sflag:s14] =	ssyncset.done $0x0  }
0x6e: {  	[sflag:s14] =	ssyncadd.s32 $0xFFFFD800  }
0x6f: {  	[tilespmem:s20], [sflag:$0x1] =	stream.indirect.gather [hbm4b:s0+s19], $0x80, s30, s19, $0xb8;
	[tilespmem:$0x1FEA0] =	vst v63  }
0x70: {  	_ =	swait.ge [sflag:s26], $0x2800  }
0x71: {  	[sflag:s26] =	ssyncset.done $0x0  }
0x72: {  	[sflag:s26] =	ssyncadd.s32 $0xFFFFD800  }
0x73: {  	[spmem:s2] =	stream.indirect.scatter.add.f32 [tilespmem:s22], [sflag:$0x4], $0x80, s31, s19, $0xb8;
	[tilespmem:$0x1FEA0] =	vst v63  }
0x74: {  	_ =	swait.ge [sflag:s14], $0x2800  }
0x75: {  	[sflag:s14] =	ssyncset.done $0x0  }
0x76: {  	[sflag:s14] =	ssyncadd.s32 $0xFFFFD800  }
0x77: {  	[tilespmem:s22], [sflag:$0x2] =	stream.indirect.gather [hbm4b:s0+s19], $0x80, s1, s19, $0xb8;
	[tilespmem:$0x1FEA0] =	vst v63  }
0x78: {  	_ =	swait.ge [sflag:s28], $0x2800  }
0x79: {  	[sflag:s28] =	ssyncset.done $0x0  }
0x7a: {  	[sflag:s28] =	ssyncadd.s32 $0xFFFFD800  }
0x7b: {  	[spmem:s2] =	stream.indirect.scatter.add.f32 [tilespmem:s24], [sflag:$0x4], $0x80, s9, s19, $0xb8;
	[tilespmem:$0x1FEA0] =	vst v63  }
0x7c: {  	_ =	swait.ge [sflag:s14], $0x2800  }
0x7d: {  	[sflag:s14] =	ssyncset.done $0x0  }
0x7e: {  	[sflag:s14] =	ssyncadd.s32 $0xFFFFD800  }
0x7f: {  	_ =	swait.ge [sflag:s25], $0x2800  }
0x80: {  	[sflag:s25] =	ssyncset.done $0x0  }
0x81: {  	[sflag:s25] =	ssyncadd.s32 $0xFFFFD800  }
0x82: {  	[spmem:s2] =	stream.indirect.scatter.add.f32 [tilespmem:s20], [sflag:$0x4], $0x80, s11, s19, $0xb8;
	[tilespmem:$0x1FEA0] =	vst v63  }
0x83: {  	_ =	swait.ge [sflag:s14], $0x2800  }
0x84: {  	[sflag:s14] =	ssyncset.done $0x0  }
0x85: {  	[sflag:s14] =	ssyncadd.s32 $0xFFFFD800  }
0x86: {  	_ =	swait.ge [sflag:s26], $0x2800  }
0x87: {  	[sflag:s26] =	ssyncset.done $0x0  }
0x88: {  	[sflag:s26] =	ssyncadd.s32 $0xFFFFD800  }
0x89: {  	[spmem:s2] =	stream.indirect.scatter.add.f32 [tilespmem:s22], [sflag:$0x4], $0x80, s12, s19, $0xb8;
	[tilespmem:$0x1FEA0] =	vst v63  }
.Ltmp3:
0x8a: {  	_ =	swait.ge [sflag:s14], $0x2800;
	(pc) =	sbr.rel @!p1 .LBB2_4-.Ltmp3, $3  }
0x8b: {  	[sflag:s14] =	ssyncset.done $0x0  }
0x8c: {  	[sflag:s14] =	ssyncadd.s32 $0xFFFFD800  }
0x8d: {  	[bflag:$0x0] =	sbarrier.arrive $0xFFFF;
	_ =	sdelay $0x1  }
0x8e: {  	s5 =	rddreg [dreg:$0x9]  }
0x8f: {  	[hbm:s5], [sflag:s16] =	dma.local [spmem:s17], $0x2700  }
.Ltmp4:
0x90: {  	_ = 	snop;
	(pc) =	sbr.rel @p0 .LBB2_7-.Ltmp4, $4  }
.Ltmp5:
0x91: {  	_ = 	snop;
	(pc) =	sbr.rel @!p0 .LBB2_6-.Ltmp5, $4  }
0x92: {  	_ =	swait.ge [sflag:s14], $0x2700  }
0x93: {  	[sflag:s14] =	ssyncset.done $0x0  }
0x94: {  	s5 =	rddreg [dreg:$0x6];
	[sflag:s14] =	ssyncadd.s32 $0xFFFFD900  }
0x95: {  	_ = 	snop  }
.LBB2_4:
0x96: {  	s5 =	rddreg [dreg:$0x8]  }
0x97: {  	[hbm:s5], [sflag:s16] =	dma.local [spmem:s17], $0x2700  }
.Ltmp6:
0x98: {  	_ = 	snop;
	(pc) =	sbr.rel @!p2 .LBB2_7-.Ltmp6, $4  }
.Ltmp7:
0x99: {  	_ = 	snop;
	(pc) =	sbr.rel @p2 .LBB2_6-.Ltmp7, $4  }
0x9a: {  	_ =	swait.ge [sflag:s14], $0x2700  }
0x9b: {  	[sflag:s14] =	ssyncset.done $0x0  }
0x9c: {  	s5 =	rddreg [dreg:$0x5];
	[sflag:s14] =	ssyncadd.s32 $0xFFFFD900  }
0x9d: {  	_ = 	snop  }
.LBB2_8:
0x9e: {  	_ =	sfence.sel $0x180000  }
0x9f: {  	[bflag:$0x0] =	sbarrier.arrive $0xFFFF  }
0xa0: {  	_ =	strace $0x9000004A  }
0xa1: {  	[bflag:$0x2] =	sbarrier.arrive $0xFFFF  }
0xa2: {  	s0 =	rddreg [dreg:$0x4]  }
0xa3: {  	s0 =	sadd.s32 @!p0 $0x100000, s0  }
0xa4: {  	[sflag:s0] =	ssyncadd.tile.s32 @!p0 $0x1;
	_ =	shalt  }
.Lfunc_end2:
_tile_overlayer_lowered:
.L_overlay_start_2:
0xa5: {  	(tag) =	ssettag $0x2  }
0xa6: {  	s0 =	rddreg [dreg:$0x0];
	s2 =	stileid.u32  }
0xa7: {  	s1 =	rddreg [dreg:$0x1];
	p0 =	sne.s32 s2, $0x0  }
0xa8: {  	s3 =	rddreg [dreg:$0x2];
	[bflag:$0x3] =	sbarrier.arrive $0xFFFF;
	s2 =	simm.s32 @!p0 $0x1C04  }
0xa9: {  	[timem:s3], [sflag:s2] =	dma.local @!p0 [hbm:s0], s1  }
0xaa: {  	s0 =	simm.s32 @!p0 $0x4  }
0xab: {  	_ =	swait.ge @!p0 [sflag:s0], s1  }
0xac: {  	s1 =	ssub.s32 @!p0 $0x0, s1;
	[sflag:s0] =	ssyncset.done @!p0 $0x0  }
0xad: {  	[sflag:s0] =	ssyncadd.s32 @!p0 s1  }
0xae: {  	[bflag:$0x3] =	sbarrier.arrive $0xFFFF  }
0xaf: {  	_ =	shalt  }

// kernel: kernel.13.cloned.1.call-start
scs
__scs_entry_jumppad:
0x0: {  	(pc) =	sbr.rel $0x88, $3  }
0x1: {  	(tag) =	ssettag $0x0;
	lr =	simm.s32 $0x1  }
0x2: {  	[smem:$0x3F99] =	sst lr;
	_ =	strace $0xD0000000  }
0x3: {  	_ = 	snop  }
0x4: {  	_ = 	snop  }
0x5: {  	_ = 	snop  }
0x6: {  	_ = 	snop  }
0x7: {  	_ = 	snop  }
__scs_overlays_trampoline_lowered:
0x8: {  	[smem:$0x3FA8] =	sst s0  }
0x9: {  	[smem:$0x3FA9] =	sst s1  }
0xa: {  	[smem:$0x3FAA] =	sst s2  }
0xb: {  	[smem:$0x3FAB] =	sst s3  }
0xc: {  	[smem:$0x3FAC] =	sst s4  }
0xd: {  	[smem:$0x3FAD] =	sst s5  }
0xe: {  	[smem:$0x3FAE] =	sst s6  }
0xf: {  	[smem:$0x3FAF] =	sst s7  }
0x10: {  	[smem:$0x3FB0] =	sst s8  }
0x11: {  	[smem:$0x3FB1] =	sst s9;
	s0 =	simm.s32 @!p0 $0x0  }
0x12: {  	s1 =	sld [smem:$0x3F97];
	s0 =	simm.s32 @p0 $0x1  }
0x13: {  	[smem:$0x3FB2] =	sst s0;
	s0 =	simm.s32 @!p1 $0x0  }
0x14: {  	s2 =	sld [smem:$0x3F96];
	s0 =	simm.s32 @p1 $0x1  }
0x15: {  	[smem:$0x3FB3] =	sst s0;
	s0 =	simm.s32 @!p2 $0x0  }
0x16: {  	s3 =	sld [smem:$0x3FDB];
	s0 =	simm.s32 @p2 $0x1  }
0x17: {  	s4 =	simm.s32 $0x1BF5;
	[smem:$0x3FB5] =	sst s0  }
0x18: {  	s0 =	sld [smem:$0x3F98];
	_ =	swait.ge [sflag:s4], $0x0  }
0x19: {  	s7 =	sld [smem:$0x3F99]  }
0x1a: {  	s8 =	sadd.s32 $0xFFFFE003, lr  }
0x1b: {  	s9 =	sadd.s32 $0xFFFFFEF7, lr;
	s5 =	simm.s32 $0xFFFFFFFF;
	p2 =	slt.u32 s8, $0xFFFFF086  }
0x1c: {  	p1 =	slt.u32 s9, $0xF7A;
	s5 =	simm.s32 @!p2 $0x0  }
0x1d: {  	s5 =	simm.s32 @p1 $0x1;
	p0 =	seq.s32 s7, s2  }
0x1e: {  	s7 =	smul.u32 @!p0 $0xF7A, s2;
	p2 =	seq.s32 @!p0 s5, $0x0  }
0x1f: {  	s9 =	smul.u32 $0xF7A, s1;
	s8 =	simm.s32 @!p0 $0x1BF5;
	p2 =	por !p2, p0  }
0x20: {  	[sflag:s8] =	ssyncset.s32 @!p0 $0xFFFFF086;
	s6 =	sadd.s32 @!p0 s3, s7;
	s7 =	simm.s32 @!p0 $0x108  }
0x21: {  	s3 =	sadd.s32 s3, s9;
	s6 =	sadd.s32 @!p0 $0x88, s6;
	s7 =	simm.s32 @p2 $0x1082  }
0x22: {  	[simem:s7], [sflag:s8] =	dma.local @!p0 [hbm:s6], $0xF7A  }
0x23: {  	s9 =	sor.u32 $0xD0000000, s2;
	s6 =	simm.s32 $0x108;
	_ =	swait.ge @!p0 [sflag:s8], $0x0  }
0x24: {  	s3 =	sadd.s32 $0x88, s3;
	s6 =	simm.s32 @!p1 $0x1082;
	[sflag:s4] =	ssyncset.s32 $0xFFFFF086  }
0x25: {  	[simem:s6], [sflag:s4] =	dma.local [hbm:s3], $0xF7A  }
0x26: {  	[smem:$0x3F99] =	sst s1;
	(tag) =	ssettag s2;
	_ =	strace s9  }
0x27: {  	s1 =	sld [smem:$0x3FA9]  }
0x28: {  	s2 =	sld [smem:$0x3FAA]  }
0x29: {  	s4 =	sld [smem:$0x3FAC]  }
0x2a: {  	p0 =	seq.s32 s5, $0x0;
	s5 =	sld [smem:$0x3FAD]  }
0x2b: {  	s6 =	sld [smem:$0x3FAE]  }
0x2c: {  	s7 =	sld [smem:$0x3FAF]  }
0x2d: {  	s3 =	simm.s32 $0x108;
	s8 =	sld [smem:$0x3FB0]  }
0x2e: {  	s3 =	simm.s32 @!p0 $0x1082;
	s9 =	sld [smem:$0x3FB1]  }
0x2f: {  	lr =	sadd.s32 s0, s3;
	s0 =	sld [smem:$0x3FA8]  }
0x30: {  	s3 =	sld [smem:$0x3FAB]  }
0x31: {  	[smem:$0x3FB4] =	sst s10  }
0x32: {  	s10 =	sld [smem:$0x3FB2];
	_ =	sdelay $0x3  }
0x33: {  	p0 =	seq.s32 s10, $0x1;
	s10 =	sld [smem:$0x3FB4];
	_ =	sdelay $0x3  }
0x34: {  	[smem:$0x3FB4] =	sst s10  }
0x35: {  	s10 =	sld [smem:$0x3FB3];
	_ =	sdelay $0x3  }
0x36: {  	p1 =	seq.s32 s10, $0x1;
	s10 =	sld [smem:$0x3FB4];
	_ =	sdelay $0x3  }
0x37: {  	[smem:$0x3FB4] =	sst s10  }
0x38: {  	s10 =	sld [smem:$0x3FB5]  }
0x39: {  	_ = 	snop;
	(pc) =	sbr.ind lr, $3  }
0x3a: {  	_ = 	snop  }
0x3b: {  	_ = 	snop  }
0x3c: {  	p2 =	seq.s32 s10, $0x1;
	s10 =	sld [smem:$0x3FB4]  }
0x3d: {  	_ =	shalt  }
0x3e: {  	_ =	shalt  }
0x3f: {  	_ =	shalt  }
0x40: {  	_ =	shalt  }
0x41: {  	_ =	shalt  }
0x42: {  	_ =	shalt  }
0x43: {  	_ =	shalt  }
0x44: {  	_ =	shalt  }
0x45: {  	_ =	shalt  }
0x46: {  	_ =	shalt  }
0x47: {  	_ =	shalt  }
0x48: {  	_ =	shalt  }
0x49: {  	_ =	shalt  }
0x4a: {  	_ =	shalt  }
0x4b: {  	_ =	shalt  }
0x4c: {  	_ =	shalt  }
0x4d: {  	_ =	shalt  }
0x4e: {  	_ =	shalt  }
0x4f: {  	_ =	shalt  }
0x50: {  	_ =	shalt  }
0x51: {  	_ =	shalt  }
0x52: {  	_ =	shalt  }
0x53: {  	_ =	shalt  }
0x54: {  	_ =	shalt  }
0x55: {  	_ =	shalt  }
0x56: {  	_ =	shalt  }
0x57: {  	_ =	shalt  }
0x58: {  	_ =	shalt  }
0x59: {  	_ =	shalt  }
0x5a: {  	_ =	shalt  }
0x5b: {  	_ =	shalt  }
0x5c: {  	_ =	shalt  }
0x5d: {  	_ =	shalt  }
0x5e: {  	_ =	shalt  }
0x5f: {  	_ =	shalt  }
0x60: {  	_ =	shalt  }
0x61: {  	_ =	shalt  }
0x62: {  	_ =	shalt  }
0x63: {  	_ =	shalt  }
0x64: {  	_ =	shalt  }
0x65: {  	_ =	shalt  }
0x66: {  	_ =	shalt  }
0x67: {  	_ =	shalt  }
0x68: {  	_ =	shalt  }
0x69: {  	_ =	shalt  }
0x6a: {  	_ =	shalt  }
0x6b: {  	_ =	shalt  }
0x6c: {  	_ =	shalt  }
0x6d: {  	_ =	shalt  }
0x6e: {  	_ =	shalt  }
0x6f: {  	_ =	shalt  }
0x70: {  	_ =	shalt  }
0x71: {  	_ =	shalt  }
0x72: {  	_ =	shalt  }
0x73: {  	_ =	shalt  }
0x74: {  	_ =	shalt  }
0x75: {  	_ =	shalt  }
0x76: {  	_ =	shalt  }
0x77: {  	_ =	shalt  }
0x78: {  	_ =	shalt  }
0x79: {  	_ =	shalt  }
0x7a: {  	_ =	shalt  }
0x7b: {  	_ =	shalt  }
0x7c: {  	_ =	shalt  }
0x7d: {  	_ =	shalt  }
0x7e: {  	_ =	shalt  }
0x7f: {  	_ =	shalt  }
0x80: {  	_ =	shalt  }
0x81: {  	_ =	shalt  }
0x82: {  	_ =	shalt  }
0x83: {  	_ =	shalt  }
0x84: {  	_ =	shalt  }
0x85: {  	_ =	shalt  }
0x86: {  	_ =	shalt  }
0x87: {  	_ =	shalt  }
.Lfunc_end0:
.L_simem_size_0:
called_computation.2_lowered:
.L_overlay_start_0:
0x88: {  	s2 =	sld [smem:$0x3FD9]  }
0x89: {  	s3 =	sld [smem:$0x3FFE];
	_ =	sdelay $0x1  }
0x8a: {  	s1 =	srdreg.scid  }
0x8b: {  	s0 =	sand.u32 $0x1, s1  }
0x8c: {  	s17 =	sshll.u32 s0, $0xA;
	s2 =	sadd.s32 s3, s2  }
0x8d: {  	s2 =	sadd.s32 s2, s17  }
0x8e: {  	[smem:$0x3FC0] =	sst s2  }
0x8f: {  	_ = 	snop  }
0x90: {  	s2 =	sld [smem:$0x3FD0];
	(tm) =	ssettm $0x1  }
0x91: {  	s18 =	sld [smem:$0x3FFB];
	_ =	sdelay $0x3  }
0x92: {  	_ =	strace s18  }
0x93: {  	s3 =	sld [smem:$0x3FFC];
	_ =	sdelay $0x3  }
0x94: {  	_ =	strace s3  }
0x95: {  	s3 =	sld [smem:$0x3FFD];
	_ =	sdelay $0x3  }
0x96: {  	_ =	strace s3  }
0x97: {  	_ =	strace $0x8FFFFFFF  }
0x98: {  	s19 =	sld [smem:$0x3FDB];
	_ =	sdelay $0x1  }
0x99: {  	s4 =	simm.s32 $_scs_section_size  }
0x9a: {  	s5 =	simm.s32 $_size__tile_overlayer_lowered;
	s6 =	simm.s32 $_tile_overlayer_lowered  }
0x9b: {  	s22 =	simm.s32 $0x1BFF;
	s21 =	sshll.u32 s6, $0x1;
	s3 =	sadd.s32 s4, s19  }
0x9c: {  	s7 =	simm.s32 $0x0;
	s20 =	sshll.u32 s5, $0x1;
	s5 =	sadd.s32 s21, s3  }
0x9d: {  	[timem:s7], [sflag:s22] =	dma.local [hbm:s5], s20  }
0x9e: {  	_ =	swait.ge [sflag:s22], s20  }
0x9f: {  	s4 =	ssub.s32 $0x0, s20;
	[sflag:s22] =	ssyncset.done $0x0  }
0xa0: {  	[sflag:s22] =	ssyncadd.s32 s4;
	_ =	sdelay $0x1  }
0xa1: {  	s23 =	simm.s32 $0x1B8B  }
0xa2: {  	_ =	swait.ge [sflag:s23], $0x1  }
0xa3: {  	[sflag:s23] =	ssyncset.done $0x0  }
0xa4: {  	s25 =	simm.s32 $0x1B8E;
	s24 =	sld [smem:$0x3FFE];
	[sflag:s23] =	ssyncadd.s32 $0xFFFFFFFF  }
0xa5: {  	s26 =	simm.s32 $execute0_lowered;
	[smem:$0x3FD2] =	sst s25  }
0xa6: {  	s5 =	sshll.u32 s26, $0x1;
	_ =	strace $0x8000004C;
	[dreg:$0x1] =	wrdreg $0xFFFFFFFF  }
0xa7: {  	s28 =	simm.s32 $_size_execute0_lowered;
	s3 =	sadd.s32 s3, s5;
	[dreg:$0x0] =	wrdreg $0x0  }
0xa8: {  	s5 =	sshll.u32 s28, $0x1;
	[dreg:$0x2] =	wrdreg s3  }
0xa9: {  	[dreg:$0x3] =	wrdreg s5  }
0xaa: {  	[dreg:$0x4] =	wrdreg $0xC0  }
0xab: {  	_ =	task [dreg:s7], $0x5FFFF  }
0xac: {  	[dreg:$0x1] =	wrdreg $0xFFFFFFFF  }
0xad: {  	[dreg:$0x0] =	wrdreg $0x60  }
0xae: {  	[dreg:$0x2] =	wrdreg s24  }
0xaf: {  	[dreg:$0x3] =	wrdreg s2  }
0xb0: {  	[dreg:$0x4] =	wrdreg $0x4F100  }
0xb1: {  	[dreg:$0x5] =	wrdreg $0x9  }
0xb2: {  	_ =	task.clear_ibuf [dreg:s7], $0x6FFFF;
	_ =	strace $0x9000004C  }
0xb3: {  	s29 =	simm.s32 $0x9;
	_ =	strace $0x8000004E  }
0xb4: {  	_ =	swait.ge [sflag:s29], $0x1  }
0xb5: {  	[sflag:s29] =	ssyncadd.s32 $0xFFFFFFFF  }
0xb6: {  	_ =	strace $0x9000004E  }
0xb7: {  	_ =	sfence  }
0xb8: {  	s30 =	sld [smem:$0x0];
	_ =	sdelay $0x2  }
0xb9: {  	s31 =	sshll.u32 s1, $0xD;
	s1 =	sshrl.u32 s1, $0x2  }
0xba: {  	s3 =	sand.u32 $0x4000, s31;
	s1 =	sadd.s32 s1, s30  }
0xbb: {  	s0 =	sor.u32 s3, s0;
	s1 =	sshll.u32 s1, $0x11  }
0xbc: {  	s0 =	sor.u32 s1, s0  }
0xbd: {  	s0 =	sadd.s32 $0x8F2B, s0  }
0xbe: {  	[sflag:s0] =	ssyncadd.remote.s32 $0x1  }
0xbf: {  	_ =	sfence.sel $0xFFFF  }
0xc0: {  	[dreg:$0x0] =	wrdreg $0xFFFFFFFF;
	(pc) =	sbr.abs _section_cstart, $3  }
0xc1: {  	[dreg:$0x1] =	wrdreg $0xFFFFFFFF  }
0xc2: {  	_ =	task.clear_ibuf [dreg:s7], $0x2FFFF;
	_ =	strace $0x9FFFFFFF  }
0xc3: {  	(tm) =	ssettm $0x7FFFFFFF  }
tec
execute0_lowered:
.L_overlay_start_1:
0x0: {  	(tag) =	ssettag $0x1  }
0x1: {  	s0 =	rddreg [dreg:$0x0]  }
0x2: {  	s4 =	rddreg [dreg:$0x1]  }
0x3: {  	s2 =	srdreg.scid;
	s5 =	stileid.u32  }
0x4: {  	s1 =	rddreg [dreg:$0x2];
	s15 =	simm.s32 $0x18790;
	s19 =	simm.s32 $0x50  }
0x5: {  	s20 =	simm.s32 $0x2710;
	s28 =	simm.s32 $0x3;
	s29 =	simm.s32 $0x2580  }
0x6: {  	s30 =	simm.s32 $0x1AE00;
	s31 =	simm.s32 $0x25D0;
	s9 =	sand.u32 $0x1, s2  }
0x7: {  	s3 =	sshll.u32 s5, $0x1;
	s2 =	simm.s32 $0x0;
	s10 =	smul.u32 $0x13800, s5  }
0x8: {  	s13 =	sadd.s32 $0x3F000, s0;
	s14 =	sadd.s32 $0xC3800, s0;
	s18 =	sadd.s32 $0x138000, s1  }
0x9: {  	p0 =	sne.s32 s5, $0x0;
	s26 =	sshll.u32 s5, $0x6;
	p2 =	seq.s32 s5, $0x0  }
0xa: {  	s3 =	sor.u32 s9, s3;
	[smem:$0x7FF] =	sst s2;
	s7 =	ssub.s32 $0x2, s9  }
0xb: {  	p1 =	seq.s32 s9, $0x1;
	s16 =	sor.u32 $0x1C04, s26;
	s26 =	simm.s32 $0x2  }
0xc: {  	s9 =	simm.s32 $0x2620;
	s6 =	smul.u32 $0x2710, s3;
	_ =	strace $0x8000004D  }
0xd: {  	s3 =	sadd.s32 $0x17E00, s0;
	s22 =	sshrl.u32 s7, $0x1;
	[dreg:$0x4] =	wrdreg s13  }
0xe: {  	s11 =	sshrl.u32 s10, $0x3;
	s12 =	sadd.s32 s10, s1;
	[dreg:$0x5] =	wrdreg s14  }
0xf: {  	s10 =	sadd.s32 $0x27000, s4;
	[dreg:$0x6] =	wrdreg s18;
	s18 =	sshrl.u32 @!p0 s18, $0x3  }
0x10: {  	s23 =	ssub.s32 s7, s22;
	s24 =	sadd.s32 s13, s11;
	s25 =	sadd.s32 s14, s11  }
0x11: {  	s14 =	simm.s32 $0x4;
	s17 =	sshrl.u32 s12, $0x3;
	s22 =	simm.s32 $0x1AEA0  }
.Ltmp0:
0x12: {  	s12 =	simm.s32 $0x26C0;
	[dreg:$0x7] =	wrdreg s24;
	(pc) =	sbr.rel .LBB2_1-.Ltmp0, $4  }
0x13: {  	s6 =	sshrl.u32 s6, $0x3;
	[dreg:$0x8] =	wrdreg s25;
	s13 =	smax.u32 s23, $0x1  }
0x14: {  	s24 =	simm.s32 $0x1D6A0;
	s25 =	simm.s32 $0x1;
	s8 =	sadd.s32 s6, s0  }
0x15: {  	s0 =	simm.s32 $0x1AE50;
	s6 =	sadd.s32 $0x4400, s8;
	s7 =	sadd.s32 $0xE040, s8  }
0x16: {  	s8 =	sadd.s32 s4, s11;
	s11 =	simm.s32 $0x2670;
	s4 =	simm.s32 $0x0  }
.LBB2_6:
0x17: {  	s21 =	rddreg [dreg:$0x6]  }
0x18: {  	s5 =	sadd.s32 $0x27000, s5;
	s21 =	sshrl.u32 s21, $0x3  }
0x19: {  	[hbm:s5], [sflag:s16] =	dma.local [spmem:s21], $0x100  }
0x1a: {  	_ =	swait.ge [sflag:s14], $0x100  }
0x1b: {  	[sflag:s14] =	ssyncset.done $0x0  }
0x1c: {  	[sflag:s14] =	ssyncadd.s32 $0xFFFFFF00  }
.LBB2_7:
0x1d: {  	s4 =	sadd.s32 $0x1, s4  }
0x1e: {  	p3 =	sne.s32 s4, s13  }
.Ltmp1:
0x1f: {  	_ = 	snop;
	(pc) =	sbr.rel @!p3 .LBB2_8-.Ltmp1, $1  }
0x20: {  	_ =	sdelay $0x3  }
.LBB2_1:
0x21: {  	[tilespmem:s2], [sflag:$0x4] =	stream.linear.gather [hbm4b:s6+s2], $0x2710, $0x38;
	[tilespmem:$0x1FEA0] =	vst v63  }
0x22: {  	_ =	swait.ge [sflag:s14], $0x2710  }
0x23: {  	[sflag:s14] =	ssyncset.done $0x0  }
0x24: {  	[sflag:s14] =	ssyncadd.s32 $0xFFFFD8F0  }
0x25: {  	[tilespmem:s15], [sflag:$0x4] =	stream.linear.gather [hbm4b:s7+s2], $0x2710, $0x38;
	[tilespmem:$0x1FEA0] =	vst v63  }
0x26: {  	_ =	swait.ge [sflag:s14], $0x2710  }
0x27: {  	[sflag:s14] =	ssyncset.done $0x0  }
0x28: {  	[sflag:s14] =	ssyncadd.s32 $0xFFFFD8F0  }
0x29: {  	[spmem:s17], [sflag:s16] =	dma.local [hbm:s8], $0x2700  }
0x2a: {  	_ =	swait.ge [sflag:s14], $0x2700  }
0x2b: {  	[sflag:s14] =	ssyncset.done $0x0  }
0x2c: {  	s5 =	simm.s32 @!p0 $0x4;
	[sflag:s14] =	ssyncadd.s32 $0xFFFFD900  }
0x2d: {  	[spmem:s18], [sflag:s16] =	dma.local @!p0 [hbm:s10], $0x100  }
0x2e: {  	_ =	swait.ge @!p0 [sflag:s5], $0x100  }
0x2f: {  	[sflag:s5] =	ssyncset.done @!p0 $0x0  }
0x30: {  	[sflag:s5] =	ssyncadd.s32 @!p0 $0xFFFFFF00  }
0x31: {  	[bflag:$0x0] =	sbarrier.arrive $0xFFFF  }
0x32: {  	[tilespmem:s20], [sflag:$0x1] =	stream.indirect.gather [hbm4b:s3+s19], $0x80, s15, s19, $0xb8;
	[tilespmem:$0x1FEA0] =	vst v63  }
0x33: {  	s23 =	simm.s32 $0x187E0  }
0x34: {  	[tilespmem:s22], [sflag:$0x2] =	stream.indirect.gather [hbm4b:s3+s19], $0x80, s23, s19, $0xb8;
	[tilespmem:$0x1FEA0] =	vst v63  }
0x35: {  	s21 =	simm.s32 $0x18830  }
0x36: {  	[tilespmem:s24], [sflag:$0x3] =	stream.indirect.gather [hbm4b:s3+s19], $0x80, s21, s19, $0xb8;
	[tilespmem:$0x1FEA0] =	vst v63  }
0x37: {  	_ =	swait.ge [sflag:s25], $0x2800  }
0x38: {  	[sflag:s25] =	ssyncset.done $0x0  }
0x39: {  	s23 =	simm.s32 $0x0;
	[sflag:s25] =	ssyncadd.s32 $0xFFFFD800  }
0x3a: {  	[spmem:s1] =	stream.indirect.scatter.add.f32 [tilespmem:s20], [sflag:$0x4], $0x80, s23, s19, $0xb8;
	[tilespmem:$0x1FEA0] =	vst v63  }
0x3b: {  	_ =	swait.ge [sflag:s14], $0x2800  }
0x3c: {  	[sflag:s14] =	ssyncset.done $0x0  }
0x3d: {  	s21 =	simm.s32 $0x18880;
	[sflag:s14] =	ssyncadd.s32 $0xFFFFD800  }
0x3e: {  	[tilespmem:s20], [sflag:$0x1] =	stream.indirect.gather [hbm4b:s3+s19], $0x80, s21, s19, $0xb8;
	[tilespmem:$0x1FEA0] =	vst v63  }
0x3f: {  	_ =	swait.ge [sflag:s26], $0x2800  }
0x40: {  	[sflag:s26] =	ssyncset.done $0x0  }
0x41: {  	s23 =	simm.s32 $0x50;
	[sflag:s26] =	ssyncadd.s32 $0xFFFFD800  }
0x42: {  	[spmem:s1] =	stream.indirect.scatter.add.f32 [tilespmem:s22], [sflag:$0x4], $0x80, s23, s19, $0xb8;
	[tilespmem:$0x1FEA0] =	vst v63  }
0x43: {  	_ =	swait.ge [sflag:s14], $0x2800  }
0x44: {  	[sflag:s14] =	ssyncset.done $0x0  }
0x45: {  	s21 =	simm.s32 $0x188D0;
	[sflag:s14] =	ssyncadd.s32 $0xFFFFD800  }
0x46: {  	[tilespmem:s22], [sflag:$0x2] =	stream.indirect.gather [hbm4b:s3+s19], $0x80, s21, s19, $0xb8;
	[tilespmem:$0x1FEA0] =	vst v63  }
0x47: {  	_ =	swait.ge [sflag:s28], $0x2800  }
0x48: {  	[sflag:s28] =	ssyncset.done $0x0  }
0x49: {  	s23 =	simm.s32 $0xA0;
	[sflag:s28] =	ssyncadd.s32 $0xFFFFD800  }
0x4a: {  	[spmem:s1] =	stream.indirect.scatter.add.f32 [tilespmem:s24], [sflag:$0x4], $0x80, s23, s19, $0xb8;
	[tilespmem:$0x1FEA0] =	vst v63  }
0x4b: {  	_ =	swait.ge [sflag:s14], $0x2800  }
0x4c: {  	[sflag:s14] =	ssyncset.done $0x0  }
0x4d: {  	s5 =	simm.s32 $0x18920;
	s21 =	simm.s32 $0x3C0;
	[sflag:s14] =	ssyncadd.s32 $0xFFFFD800  }
.LBB2_2:
0x4e: {  	[tilespmem:s24], [sflag:$0x3] =	stream.indirect.gather [hbm4b:s3+s19], $0x80, s5, s19, $0xb8;
	[tilespmem:$0x1FEA0] =	vst v63  }
0x4f: {  	s5 =	smov.u32 s21  }
0x50: {  	p3 =	sne.s32 s21, $0x9240;
	s21 =	sadd.s32 $0x3C0, s21;
	_ =	swait.ge [sflag:s25], $0x2800  }
0x51: {  	[sflag:s25] =	ssyncset.done $0x0  }
0x52: {  	s5 =	sshra.s32 s5, $0x2;
	[sflag:s25] =	ssyncadd.s32 $0xFFFFD800  }
0x53: {  	[spmem:s1] =	stream.indirect.scatter.add.f32 [tilespmem:s20], [sflag:$0x4], $0x80, s5, s19, $0xb8;
	[tilespmem:$0x1FEA0] =	vst v63  }
0x54: {  	_ =	swait.ge [sflag:s14], $0x2800  }
0x55: {  	[sflag:s14] =	ssyncset.done $0x0  }
0x56: {  	s23 =	sadd.s32 $0x18880, s5;
	[sflag:s14] =	ssyncadd.s32 $0xFFFFD800  }
0x57: {  	[tilespmem:s20], [sflag:$0x1] =	stream.indirect.gather [hbm4b:s3+s19], $0x80, s23, s19, $0xb8;
	[tilespmem:$0x1FEA0] =	vst v63  }
0x58: {  	_ =	swait.ge [sflag:s26], $0x2800  }
0x59: {  	[sflag:s26] =	ssyncset.done $0x0  }
0x5a: {  	s23 =	sadd.s32 $0x50, s5;
	[sflag:s26] =	ssyncadd.s32 $0xFFFFD800  }
0x5b: {  	[spmem:s1] =	stream.indirect.scatter.add.f32 [tilespmem:s22], [sflag:$0x4], $0x80, s23, s19, $0xb8;
	[tilespmem:$0x1FEA0] =	vst v63  }
0x5c: {  	_ =	swait.ge [sflag:s14], $0x2800  }
0x5d: {  	[sflag:s14] =	ssyncset.done $0x0  }
0x5e: {  	s23 =	sadd.s32 $0x188D0, s5;
	[sflag:s14] =	ssyncadd.s32 $0xFFFFD800  }
0x5f: {  	[tilespmem:s22], [sflag:$0x2] =	stream.indirect.gather [hbm4b:s3+s19], $0x80, s23, s19, $0xb8;
	[tilespmem:$0x1FEA0] =	vst v63  }
0x60: {  	_ =	swait.ge [sflag:s28], $0x2800  }
0x61: {  	[sflag:s28] =	ssyncset.done $0x0  }
.Ltmp2:
0x62: {  	s23 =	sadd.s32 $0xA0, s5;
	[sflag:s28] =	ssyncadd.s32 $0xFFFFD800;
	(pc) =	sbr.rel @p3 .LBB2_2-.Ltmp2, $4  }
0x63: {  	[spmem:s1] =	stream.indirect.scatter.add.f32 [tilespmem:s24], [sflag:$0x4], $0x80, s23, s19, $0xb8;
	[tilespmem:$0x1FEA0] =	vst v63  }
0x64: {  	_ =	swait.ge [sflag:s14], $0x2800  }
0x65: {  	[sflag:s14] =	ssyncset.done $0x0  }
0x66: {  	s5 =	sadd.s32 $0x18920, s5;
	[sflag:s14] =	ssyncadd.s32 $0xFFFFD800  }
0x67: {  	[tilespmem:s24], [sflag:$0x3] =	stream.indirect.gather [hbm4b:s3+s19], $0x80, s5, s19, $0xb8;
	[tilespmem:$0x1FEA0] =	vst v63  }
0x68: {  	_ =	swait.ge [sflag:s25], $0x2800  }
0x69: {  	[sflag:s25] =	ssyncset.done $0x0  }
0x6a: {  	[sflag:s25] =	ssyncadd.s32 $0xFFFFD800  }
0x6b: {  	[spmem:s1] =	stream.indirect.scatter.add.f32 [tilespmem:s20], [sflag:$0x4], $0x80, s29, s19, $0xb8;
	[tilespmem:$0x1FEA0] =	vst v63  }
0x6c: {  	_ =	swait.ge [sflag:s14], $0x2800  }
0x6d: {  	[sflag:s14] =	ssyncset.done $0x0  }
0x6e: {  	[sflag:s14] =	ssyncadd.s32 $0xFFFFD800  }
0x6f: {  	[tilespmem:s20], [sflag:$0x1] =	stream.indirect.gather [hbm4b:s3+s19], $0x80, s30, s19, $0xb8;
	[tilespmem:$0x1FEA0] =	vst v63  }
0x70: {  	_ =	swait.ge [sflag:s26], $0x2800  }
0x71: {  	[sflag:s26] =	ssyncset.done $0x0  }
0x72: {  	[sflag:s26] =	ssyncadd.s32 $0xFFFFD800  }
0x73: {  	[spmem:s1] =	stream.indirect.scatter.add.f32 [tilespmem:s22], [sflag:$0x4], $0x80, s31, s19, $0xb8;
	[tilespmem:$0x1FEA0] =	vst v63  }
0x74: {  	_ =	swait.ge [sflag:s14], $0x2800  }
0x75: {  	[sflag:s14] =	ssyncset.done $0x0  }
0x76: {  	[sflag:s14] =	ssyncadd.s32 $0xFFFFD800  }
0x77: {  	[tilespmem:s22], [sflag:$0x2] =	stream.indirect.gather [hbm4b:s3+s19], $0x80, s0, s19, $0xb8;
	[tilespmem:$0x1FEA0] =	vst v63  }
0x78: {  	_ =	swait.ge [sflag:s28], $0x2800  }
0x79: {  	[sflag:s28] =	ssyncset.done $0x0  }
0x7a: {  	[sflag:s28] =	ssyncadd.s32 $0xFFFFD800  }
0x7b: {  	[spmem:s1] =	stream.indirect.scatter.add.f32 [tilespmem:s24], [sflag:$0x4], $0x80, s9, s19, $0xb8;
	[tilespmem:$0x1FEA0] =	vst v63  }
0x7c: {  	_ =	swait.ge [sflag:s14], $0x2800  }
0x7d: {  	[sflag:s14] =	ssyncset.done $0x0  }
0x7e: {  	[sflag:s14] =	ssyncadd.s32 $0xFFFFD800  }
0x7f: {  	_ =	swait.ge [sflag:s25], $0x2800  }
0x80: {  	[sflag:s25] =	ssyncset.done $0x0  }
0x81: {  	[sflag:s25] =	ssyncadd.s32 $0xFFFFD800  }
0x82: {  	[spmem:s1] =	stream.indirect.scatter.add.f32 [tilespmem:s20], [sflag:$0x4], $0x80, s11, s19, $0xb8;
	[tilespmem:$0x1FEA0] =	vst v63  }
0x83: {  	_ =	swait.ge [sflag:s14], $0x2800  }
0x84: {  	[sflag:s14] =	ssyncset.done $0x0  }
0x85: {  	[sflag:s14] =	ssyncadd.s32 $0xFFFFD800  }
0x86: {  	_ =	swait.ge [sflag:s26], $0x2800  }
0x87: {  	[sflag:s26] =	ssyncset.done $0x0  }
0x88: {  	[sflag:s26] =	ssyncadd.s32 $0xFFFFD800  }
0x89: {  	[spmem:s1] =	stream.indirect.scatter.add.f32 [tilespmem:s22], [sflag:$0x4], $0x80, s12, s19, $0xb8;
	[tilespmem:$0x1FEA0] =	vst v63  }
.Ltmp3:
0x8a: {  	_ =	swait.ge [sflag:s14], $0x2800;
	(pc) =	sbr.rel @!p1 .LBB2_4-.Ltmp3, $3  }
0x8b: {  	[sflag:s14] =	ssyncset.done $0x0  }
0x8c: {  	[sflag:s14] =	ssyncadd.s32 $0xFFFFD800  }
0x8d: {  	[bflag:$0x0] =	sbarrier.arrive $0xFFFF;
	_ =	sdelay $0x1  }
0x8e: {  	s5 =	rddreg [dreg:$0x8]  }
0x8f: {  	[hbm:s5], [sflag:s16] =	dma.local [spmem:s17], $0x2700  }
.Ltmp4:
0x90: {  	_ = 	snop;
	(pc) =	sbr.rel @p0 .LBB2_7-.Ltmp4, $4  }
.Ltmp5:
0x91: {  	_ = 	snop;
	(pc) =	sbr.rel @!p0 .LBB2_6-.Ltmp5, $4  }
0x92: {  	_ =	swait.ge [sflag:s14], $0x2700  }
0x93: {  	[sflag:s14] =	ssyncset.done $0x0  }
0x94: {  	s5 =	rddreg [dreg:$0x5];
	[sflag:s14] =	ssyncadd.s32 $0xFFFFD900  }
0x95: {  	_ = 	snop  }
.LBB2_4:
0x96: {  	s5 =	rddreg [dreg:$0x7]  }
0x97: {  	[hbm:s5], [sflag:s16] =	dma.local [spmem:s17], $0x2700  }
.Ltmp6:
0x98: {  	_ = 	snop;
	(pc) =	sbr.rel @!p2 .LBB2_7-.Ltmp6, $4  }
.Ltmp7:
0x99: {  	_ = 	snop;
	(pc) =	sbr.rel @p2 .LBB2_6-.Ltmp7, $4  }
0x9a: {  	_ =	swait.ge [sflag:s14], $0x2700  }
0x9b: {  	[sflag:s14] =	ssyncset.done $0x0  }
0x9c: {  	s5 =	rddreg [dreg:$0x4];
	[sflag:s14] =	ssyncadd.s32 $0xFFFFD900  }
0x9d: {  	_ = 	snop  }
.LBB2_8:
0x9e: {  	_ =	sfence.sel $0x180000  }
0x9f: {  	[bflag:$0x0] =	sbarrier.arrive $0xFFFF  }
0xa0: {  	_ =	strace $0x9000004D  }
0xa1: {  	[bflag:$0x2] =	sbarrier.arrive $0xFFFF  }
0xa2: {  	s0 =	rddreg [dreg:$0x3]  }
0xa3: {  	s0 =	sadd.s32 @!p0 $0x100000, s0  }
0xa4: {  	[sflag:s0] =	ssyncadd.tile.s32 @!p0 $0x1;
	_ =	shalt  }
.Lfunc_end2:
_tile_overlayer_lowered:
.L_overlay_start_2:
0xa5: {  	(tag) =	ssettag $0x2  }
0xa6: {  	s0 =	rddreg [dreg:$0x0];
	s2 =	stileid.u32  }
0xa7: {  	s1 =	rddreg [dreg:$0x1];
	p0 =	sne.s32 s2, $0x0  }
0xa8: {  	s3 =	rddreg [dreg:$0x2];
	[bflag:$0x3] =	sbarrier.arrive $0xFFFF;
	s2 =	simm.s32 @!p0 $0x1C04  }
0xa9: {  	[timem:s3], [sflag:s2] =	dma.local @!p0 [hbm:s0], s1  }
0xaa: {  	s0 =	simm.s32 @!p0 $0x4  }
0xab: {  	_ =	swait.ge @!p0 [sflag:s0], s1  }
0xac: {  	s1 =	ssub.s32 @!p0 $0x0, s1;
	[sflag:s0] =	ssyncset.done @!p0 $0x0  }
0xad: {  	[sflag:s0] =	ssyncadd.s32 @!p0 s1  }
0xae: {  	[bflag:$0x3] =	sbarrier.arrive $0xFFFF  }
0xaf: {  	_ =	shalt  }

// kernel: kernel.7.cloned.1.call-start
scs
__scs_entry_jumppad:
0x0: {  	(pc) =	sbr.rel $0x88, $3  }
0x1: {  	(tag) =	ssettag $0x0;
	lr =	simm.s32 $0x1  }
0x2: {  	[smem:$0x3F99] =	sst lr;
	_ =	strace $0xD0000000  }
0x3: {  	_ = 	snop  }
0x4: {  	_ = 	snop  }
0x5: {  	_ = 	snop  }
0x6: {  	_ = 	snop  }
0x7: {  	_ = 	snop  }
__scs_overlays_trampoline_lowered:
0x8: {  	[smem:$0x3FA8] =	sst s0  }
0x9: {  	[smem:$0x3FA9] =	sst s1  }
0xa: {  	[smem:$0x3FAA] =	sst s2  }
0xb: {  	[smem:$0x3FAB] =	sst s3  }
0xc: {  	[smem:$0x3FAC] =	sst s4  }
0xd: {  	[smem:$0x3FAD] =	sst s5  }
0xe: {  	[smem:$0x3FAE] =	sst s6  }
0xf: {  	[smem:$0x3FAF] =	sst s7  }
0x10: {  	[smem:$0x3FB0] =	sst s8  }
0x11: {  	[smem:$0x3FB1] =	sst s9;
	s0 =	simm.s32 @!p0 $0x0  }
0x12: {  	s1 =	sld [smem:$0x3F97];
	s0 =	simm.s32 @p0 $0x1  }
0x13: {  	[smem:$0x3FB2] =	sst s0;
	s0 =	simm.s32 @!p1 $0x0  }
0x14: {  	s2 =	sld [smem:$0x3F96];
	s0 =	simm.s32 @p1 $0x1  }
0x15: {  	[smem:$0x3FB3] =	sst s0;
	s0 =	simm.s32 @!p2 $0x0  }
0x16: {  	s3 =	sld [smem:$0x3FDB];
	s0 =	simm.s32 @p2 $0x1  }
0x17: {  	s4 =	simm.s32 $0x1BF5;
	[smem:$0x3FB5] =	sst s0  }
0x18: {  	s0 =	sld [smem:$0x3F98];
	_ =	swait.ge [sflag:s4], $0x0  }
0x19: {  	s7 =	sld [smem:$0x3F99]  }
0x1a: {  	s8 =	sadd.s32 $0xFFFFE003, lr  }
0x1b: {  	s9 =	sadd.s32 $0xFFFFFEF7, lr;
	s5 =	simm.s32 $0xFFFFFFFF;
	p2 =	slt.u32 s8, $0xFFFFF086  }
0x1c: {  	p1 =	slt.u32 s9, $0xF7A;
	s5 =	simm.s32 @!p2 $0x0  }
0x1d: {  	s5 =	simm.s32 @p1 $0x1;
	p0 =	seq.s32 s7, s2  }
0x1e: {  	s7 =	smul.u32 @!p0 $0xF7A, s2;
	p2 =	seq.s32 @!p0 s5, $0x0  }
0x1f: {  	s9 =	smul.u32 $0xF7A, s1;
	s8 =	simm.s32 @!p0 $0x1BF5;
	p2 =	por !p2, p0  }
0x20: {  	[sflag:s8] =	ssyncset.s32 @!p0 $0xFFFFF086;
	s6 =	sadd.s32 @!p0 s3, s7;
	s7 =	simm.s32 @!p0 $0x108  }
0x21: {  	s3 =	sadd.s32 s3, s9;
	s6 =	sadd.s32 @!p0 $0x88, s6;
	s7 =	simm.s32 @p2 $0x1082  }
0x22: {  	[simem:s7], [sflag:s8] =	dma.local @!p0 [hbm:s6], $0xF7A  }
0x23: {  	s9 =	sor.u32 $0xD0000000, s2;
	s6 =	simm.s32 $0x108;
	_ =	swait.ge @!p0 [sflag:s8], $0x0  }
0x24: {  	s3 =	sadd.s32 $0x88, s3;
	s6 =	simm.s32 @!p1 $0x1082;
	[sflag:s4] =	ssyncset.s32 $0xFFFFF086  }
0x25: {  	[simem:s6], [sflag:s4] =	dma.local [hbm:s3], $0xF7A  }
0x26: {  	[smem:$0x3F99] =	sst s1;
	(tag) =	ssettag s2;
	_ =	strace s9  }
0x27: {  	s1 =	sld [smem:$0x3FA9]  }
0x28: {  	s2 =	sld [smem:$0x3FAA]  }
0x29: {  	s4 =	sld [smem:$0x3FAC]  }
0x2a: {  	p0 =	seq.s32 s5, $0x0;
	s5 =	sld [smem:$0x3FAD]  }
0x2b: {  	s6 =	sld [smem:$0x3FAE]  }
0x2c: {  	s7 =	sld [smem:$0x3FAF]  }
0x2d: {  	s3 =	simm.s32 $0x108;
	s8 =	sld [smem:$0x3FB0]  }
0x2e: {  	s3 =	simm.s32 @!p0 $0x1082;
	s9 =	sld [smem:$0x3FB1]  }
0x2f: {  	lr =	sadd.s32 s0, s3;
	s0 =	sld [smem:$0x3FA8]  }
0x30: {  	s3 =	sld [smem:$0x3FAB]  }
0x31: {  	[smem:$0x3FB4] =	sst s10  }
0x32: {  	s10 =	sld [smem:$0x3FB2];
	_ =	sdelay $0x3  }
0x33: {  	p0 =	seq.s32 s10, $0x1;
	s10 =	sld [smem:$0x3FB4];
	_ =	sdelay $0x3  }
0x34: {  	[smem:$0x3FB4] =	sst s10  }
0x35: {  	s10 =	sld [smem:$0x3FB3];
	_ =	sdelay $0x3  }
0x36: {  	p1 =	seq.s32 s10, $0x1;
	s10 =	sld [smem:$0x3FB4];
	_ =	sdelay $0x3  }
0x37: {  	[smem:$0x3FB4] =	sst s10  }
0x38: {  	s10 =	sld [smem:$0x3FB5]  }
0x39: {  	_ = 	snop;
	(pc) =	sbr.ind lr, $3  }
0x3a: {  	_ = 	snop  }
0x3b: {  	_ = 	snop  }
0x3c: {  	p2 =	seq.s32 s10, $0x1;
	s10 =	sld [smem:$0x3FB4]  }
0x3d: {  	_ =	shalt  }
0x3e: {  	_ =	shalt  }
0x3f: {  	_ =	shalt  }
0x40: {  	_ =	shalt  }
0x41: {  	_ =	shalt  }
0x42: {  	_ =	shalt  }
0x43: {  	_ =	shalt  }
0x44: {  	_ =	shalt  }
0x45: {  	_ =	shalt  }
0x46: {  	_ =	shalt  }
0x47: {  	_ =	shalt  }
0x48: {  	_ =	shalt  }
0x49: {  	_ =	shalt  }
0x4a: {  	_ =	shalt  }
0x4b: {  	_ =	shalt  }
0x4c: {  	_ =	shalt  }
0x4d: {  	_ =	shalt  }
0x4e: {  	_ =	shalt  }
0x4f: {  	_ =	shalt  }
0x50: {  	_ =	shalt  }
0x51: {  	_ =	shalt  }
0x52: {  	_ =	shalt  }
0x53: {  	_ =	shalt  }
0x54: {  	_ =	shalt  }
0x55: {  	_ =	shalt  }
0x56: {  	_ =	shalt  }
0x57: {  	_ =	shalt  }
0x58: {  	_ =	shalt  }
0x59: {  	_ =	shalt  }
0x5a: {  	_ =	shalt  }
0x5b: {  	_ =	shalt  }
0x5c: {  	_ =	shalt  }
0x5d: {  	_ =	shalt  }
0x5e: {  	_ =	shalt  }
0x5f: {  	_ =	shalt  }
0x60: {  	_ =	shalt  }
0x61: {  	_ =	shalt  }
0x62: {  	_ =	shalt  }
0x63: {  	_ =	shalt  }
0x64: {  	_ =	shalt  }
0x65: {  	_ =	shalt  }
0x66: {  	_ =	shalt  }
0x67: {  	_ =	shalt  }
0x68: {  	_ =	shalt  }
0x69: {  	_ =	shalt  }
0x6a: {  	_ =	shalt  }
0x6b: {  	_ =	shalt  }
0x6c: {  	_ =	shalt  }
0x6d: {  	_ =	shalt  }
0x6e: {  	_ =	shalt  }
0x6f: {  	_ =	shalt  }
0x70: {  	_ =	shalt  }
0x71: {  	_ =	shalt  }
0x72: {  	_ =	shalt  }
0x73: {  	_ =	shalt  }
0x74: {  	_ =	shalt  }
0x75: {  	_ =	shalt  }
0x76: {  	_ =	shalt  }
0x77: {  	_ =	shalt  }
0x78: {  	_ =	shalt  }
0x79: {  	_ =	shalt  }
0x7a: {  	_ =	shalt  }
0x7b: {  	_ =	shalt  }
0x7c: {  	_ =	shalt  }
0x7d: {  	_ =	shalt  }
0x7e: {  	_ =	shalt  }
0x7f: {  	_ =	shalt  }
0x80: {  	_ =	shalt  }
0x81: {  	_ =	shalt  }
0x82: {  	_ =	shalt  }
0x83: {  	_ =	shalt  }
0x84: {  	_ =	shalt  }
0x85: {  	_ =	shalt  }
0x86: {  	_ =	shalt  }
0x87: {  	_ =	shalt  }
.Lfunc_end0:
.L_simem_size_0:
called_computation_lowered:
.L_overlay_start_0:
0x88: {  	s2 =	sld [smem:$0x3FD9]  }
0x89: {  	s3 =	sld [smem:$0x3FFE];
	_ =	sdelay $0x1  }
0x8a: {  	s1 =	srdreg.scid  }
0x8b: {  	s0 =	sand.u32 $0x1, s1  }
0x8c: {  	s16 =	sshll.u32 s0, $0xA;
	s2 =	sadd.s32 s3, s2  }
0x8d: {  	s2 =	sadd.s32 s2, s16  }
0x8e: {  	[smem:$0x3FC0] =	sst s2  }
0x8f: {  	_ = 	snop  }
0x90: {  	(tm) =	ssettm $0x1  }
0x91: {  	s17 =	sld [smem:$0x3FFB];
	_ =	sdelay $0x3  }
0x92: {  	_ =	strace s17  }
0x93: {  	s2 =	sld [smem:$0x3FFC];
	_ =	sdelay $0x3  }
0x94: {  	_ =	strace s2  }
0x95: {  	s2 =	sld [smem:$0x3FFD];
	_ =	sdelay $0x3  }
0x96: {  	_ =	strace s2  }
0x97: {  	_ =	strace $0x8FFFFFFF  }
0x98: {  	s18 =	sld [smem:$0x3FDB];
	_ =	sdelay $0x1  }
0x99: {  	s19 =	simm.s32 $_scs_section_size  }
0x9a: {  	s4 =	simm.s32 $_size__tile_overlayer_lowered;
	s5 =	simm.s32 $_tile_overlayer_lowered  }
0x9b: {  	s22 =	simm.s32 $0x1BFF;
	s21 =	sshll.u32 s5, $0x1;
	s2 =	sadd.s32 s19, s18  }
0x9c: {  	s6 =	simm.s32 $0x0;
	s20 =	sshll.u32 s4, $0x1;
	s4 =	sadd.s32 s21, s2  }
0x9d: {  	[timem:s6], [sflag:s22] =	dma.local [hbm:s4], s20  }
0x9e: {  	_ =	swait.ge [sflag:s22], s20  }
0x9f: {  	s3 =	ssub.s32 $0x0, s20;
	[sflag:s22] =	ssyncset.done $0x0  }
0xa0: {  	[sflag:s22] =	ssyncadd.s32 s3;
	_ =	sdelay $0x1  }
0xa1: {  	s23 =	simm.s32 $0x1B8B  }
0xa2: {  	_ =	swait.ge [sflag:s23], $0x1  }
0xa3: {  	[sflag:s23] =	ssyncset.done $0x0  }
0xa4: {  	s25 =	simm.s32 $0x1B8E;
	s24 =	sld [smem:$0x3FFE];
	[sflag:s23] =	ssyncadd.s32 $0xFFFFFFFF  }
0xa5: {  	s26 =	simm.s32 $execute0_lowered;
	[smem:$0x3FD2] =	sst s25  }
0xa6: {  	s4 =	sshll.u32 s26, $0x1;
	_ =	strace $0x80000046;
	[dreg:$0x1] =	wrdreg $0xFFFFFFFF  }
0xa7: {  	s28 =	simm.s32 $_size_execute0_lowered;
	s2 =	sadd.s32 s2, s4;
	[dreg:$0x0] =	wrdreg $0x0  }
0xa8: {  	s4 =	sshll.u32 s28, $0x1;
	[dreg:$0x2] =	wrdreg s2  }
0xa9: {  	[dreg:$0x3] =	wrdreg s4  }
0xaa: {  	[dreg:$0x4] =	wrdreg $0xC0  }
0xab: {  	_ =	task [dreg:s6], $0x5FFFF  }
0xac: {  	[dreg:$0x1] =	wrdreg $0xFFFFFFFF  }
0xad: {  	[dreg:$0x0] =	wrdreg $0x60  }
0xae: {  	[dreg:$0x2] =	wrdreg s24  }
0xaf: {  	[dreg:$0x3] =	wrdreg $0x2C100  }
0xb0: {  	[dreg:$0x4] =	wrdreg $0x9  }
0xb1: {  	_ =	task.clear_ibuf [dreg:s6], $0x5FFFF;
	_ =	strace $0x90000046  }
0xb2: {  	s29 =	simm.s32 $0x9;
	_ =	strace $0x80000048  }
0xb3: {  	_ =	swait.ge [sflag:s29], $0x1  }
0xb4: {  	[sflag:s29] =	ssyncadd.s32 $0xFFFFFFFF  }
0xb5: {  	_ =	strace $0x90000048  }
0xb6: {  	_ =	sfence  }
0xb7: {  	s30 =	sld [smem:$0x0];
	_ =	sdelay $0x2  }
0xb8: {  	s31 =	sshll.u32 s1, $0xD;
	s1 =	sshrl.u32 s1, $0x2  }
0xb9: {  	s3 =	sand.u32 $0x4000, s31;
	s1 =	sadd.s32 s1, s30  }
0xba: {  	s0 =	sor.u32 s3, s0;
	s1 =	sshll.u32 s1, $0x11  }
0xbb: {  	s0 =	sor.u32 s1, s0  }
0xbc: {  	s0 =	sadd.s32 $0x8F2B, s0  }
0xbd: {  	[sflag:s0] =	ssyncadd.remote.s32 $0x1  }
0xbe: {  	_ =	sfence.sel $0xFFFF  }
0xbf: {  	[dreg:$0x0] =	wrdreg $0xFFFFFFFF;
	(pc) =	sbr.abs _section_cstart, $3  }
0xc0: {  	[dreg:$0x1] =	wrdreg $0xFFFFFFFF  }
0xc1: {  	_ =	task.clear_ibuf [dreg:s6], $0x2FFFF;
	_ =	strace $0x9FFFFFFF  }
0xc2: {  	(tm) =	ssettm $0x7FFFFFFF  }
0xc3: {  	_ =	shalt  }
tec
execute0_lowered:
.L_overlay_start_1:
0x0: {  	(tag) =	ssettag $0x1  }
0x1: {  	s8 =	rddreg [dreg:$0x0]  }
0x2: {  	s1 =	rddreg [dreg:$0x1]  }
0x3: {  	s0 =	rddreg [dreg:$0x2]  }
0x4: {  	s3 =	srdreg.scid;
	s20 =	stileid.u32  }
0x5: {  	s2 =	simm.s32 $0x0;
	s17 =	simm.s32 $0x50;
	s18 =	simm.s32 $0x1  }
0x6: {  	s9 =	sand.u32 $0x1, s3;
	s31 =	sshll.u32 s20, $0x1;
	[smem:$0x7FF] =	sst s2  }
0x7: {  	s7 =	smul.u32 $0x2700, s20;
	s5 =	sadd.s32 $0x1D000, s8;
	s19 =	sadd.s32 $0x27000, s1  }
0x8: {  	p0 =	sne.s32 s20, $0x0;
	s14 =	sshll.u32 s20, $0x6;
	p2 =	seq.s32 s20, $0x0  }
0x9: {  	s20 =	simm.s32 $0x0;
	s3 =	sor.u32 s9, s31;
	_ =	strace $0x80000047  }
0xa: {  	s6 =	ssub.s32 $0x2, s9;
	p1 =	seq.s32 s9, $0x1;
	s14 =	sor.u32 $0x1C02, s14  }
0xb: {  	s16 =	sshrl.u32 @!p0 s19, $0x3;
	s19 =	sshrl.u32 s19, $0x3;
	s4 =	smul.u32 $0x4E2, s3  }
0xc: {  	s3 =	sadd.s32 $0x1CE00, s8;
	s10 =	sshrl.u32 s7, $0x3;
	s13 =	sshrl.u32 s6, $0x1  }
.Ltmp0:
0xd: {  	s15 =	sadd.s32 s7, s1;
	s12 =	sadd.s32 s10, s8;
	(pc) =	sbr.rel .LBB2_1-.Ltmp0, $4  }
0xe: {  	s13 =	ssub.s32 s6, s13;
	s15 =	sshrl.u32 s15, $0x3;
	s11 =	sadd.s32 s4, s8  }
0xf: {  	s4 =	sadd.s32 $0x22000, s8;
	s7 =	sadd.s32 $0x17E00, s12;
	s8 =	sadd.s32 $0x1CC00, s8  }
0x10: {  	s12 =	simm.s32 $0x2;
	s6 =	sadd.s32 $0x4400, s11;
	s9 =	sadd.s32 s4, s10  }
0x11: {  	s10 =	sadd.s32 s5, s10;
	s11 =	smax.u32 s13, $0x1;
	s13 =	simm.s32 $0x2710  }
.LBB2_8:
0x12: {  	s21 =	sadd.s32 $0x4E00, s21  }
0x13: {  	[hbm:s21], [sflag:s14] =	dma.local [spmem:s19], $0x20  }
0x14: {  	_ =	swait.ge [sflag:s12], $0x20  }
0x15: {  	[sflag:s12] =	ssyncset.done $0x0  }
0x16: {  	[sflag:s12] =	ssyncadd.s32 $0xFFFFFFE0  }
.LBB2_9:
0x17: {  	s20 =	sadd.s32 $0x1, s20  }
0x18: {  	p3 =	sne.s32 s20, s11  }
.Ltmp1:
0x19: {  	_ = 	snop;
	(pc) =	sbr.rel @!p3 .LBB2_10-.Ltmp1, $1  }
0x1a: {  	_ =	sdelay $0x3  }
.LBB2_1:
0x1b: {  	[tilespmem:s2], [sflag:$0x2] =	stream.linear.gather [hbm4b:s6+s2], $0x2710, $0x38;
	[tilespmem:$0x5320] =	vst v63  }
0x1c: {  	_ =	swait.ge [sflag:s12], $0x2710  }
0x1d: {  	[sflag:s12] =	ssyncset.done $0x0  }
0x1e: {  	[sflag:s12] =	ssyncadd.s32 $0xFFFFD8F0  }
0x1f: {  	[tilespmem:s13], [sflag:$0x2] =	stream.linear.gather [hbm4b:s3+s2], $0x500, $0x38;
	[tilespmem:$0x5320] =	vst v63  }
0x20: {  	_ =	swait.ge [sflag:s12], $0x500  }
0x21: {  	[sflag:s12] =	ssyncset.done $0x0  }
0x22: {  	[sflag:s12] =	ssyncadd.s32 $0xFFFFFB00  }
0x23: {  	[spmem:s15], [sflag:s14] =	dma.local [hbm:s7], $0x4E0  }
0x24: {  	_ =	swait.ge [sflag:s12], $0x4E0  }
0x25: {  	[sflag:s12] =	ssyncset.done $0x0  }
0x26: {  	s21 =	simm.s32 @!p0 $0x2;
	[sflag:s12] =	ssyncadd.s32 $0xFFFFFB20  }
0x27: {  	[spmem:s16], [sflag:s14] =	dma.local @!p0 [hbm:s8], $0x20  }
0x28: {  	_ =	swait.ge @!p0 [sflag:s21], $0x20  }
0x29: {  	[sflag:s21] =	ssyncset.done @!p0 $0x0  }
0x2a: {  	[sflag:s21] =	ssyncadd.s32 @!p0 $0xFFFFFFE0  }
0x2b: {  	s21 =	simm.s32 $0x0;
	[bflag:$0x0] =	sbarrier.arrive $0xFFFF  }
.LBB2_2:
0x2c: {  	p3 =	sne.s32 s21, $0x9B00  }
.Ltmp2:
0x2d: {  	_ = 	snop;
	(pc) =	sbr.rel @p3 .LBB2_2-.Ltmp2, $3  }
0x2e: {  	_ =	sdelay $0x1  }
0x2f: {  	s22 =	sshra.s32 s21, $0x2;
	s21 =	sadd.s32 $0x140, s21  }
0x30: {  	[spmem:s1] =	stream.indirect.scatter.add.f32 [tilespmem:s13], [sflag:$0x1], $0x10, s22, s17, $0xb8;
	[tilespmem:$0x5320] =	vst v63  }
0x31: {  	_ =	swait.ge [sflag:s18], $0x500  }
0x32: {  	s21 =	simm.s32 $0x7C;
	[sflag:s18] =	ssyncset.done $0x0  }
.LBB2_4:
0x33: {  	p3 =	sne.s32 s21, $0x1;
	s21 =	sadd.s32 $0xFFFFFFFF, s21;
	[sflag:s18] =	ssyncadd.s32 $0xFFFFFB00  }
.Ltmp3:
0x34: {  	(pc) =	sbr.rel @p3 .LBB2_4-.Ltmp3, $3  }
0x35: {  	_ =	sdelay $0x1  }
0x36: {  	_ =	swait.ge [sflag:s18], $0x500  }
0x37: {  	[sflag:s18] =	ssyncset.done $0x0  }
.Ltmp4:
0x38: {  	(pc) =	sbr.rel @!p1 .LBB2_6-.Ltmp4, $3  }
0x39: {  	_ = 	snop  }
0x3a: {  	[sflag:s18] =	ssyncadd.s32 $0xFFFFFB00  }
0x3b: {  	[bflag:$0x0] =	sbarrier.arrive $0xFFFF;
	_ =	sdelay $0x1  }
0x3c: {  	[hbm:s10], [sflag:s14] =	dma.local [spmem:s15], $0x4E0  }
.Ltmp5:
0x3d: {  	_ = 	snop;
	(pc) =	sbr.rel @p0 .LBB2_9-.Ltmp5, $4  }
.Ltmp6:
0x3e: {  	_ = 	snop;
	(pc) =	sbr.rel @!p0 .LBB2_8-.Ltmp6, $4  }
0x3f: {  	_ =	swait.ge [sflag:s12], $0x4E0  }
0x40: {  	[sflag:s12] =	ssyncset.done $0x0  }
0x41: {  	s21 =	smov.u32 s5;
	[sflag:s12] =	ssyncadd.s32 $0xFFFFFB20  }
0x42: {  	_ = 	snop  }
.LBB2_6:
0x43: {  	[hbm:s9], [sflag:s14] =	dma.local [spmem:s15], $0x4E0  }
.Ltmp7:
0x44: {  	_ = 	snop;
	(pc) =	sbr.rel @!p2 .LBB2_9-.Ltmp7, $4  }
.Ltmp8:
0x45: {  	_ = 	snop;
	(pc) =	sbr.rel @p2 .LBB2_8-.Ltmp8, $4  }
0x46: {  	_ =	swait.ge [sflag:s12], $0x4E0  }
0x47: {  	[sflag:s12] =	ssyncset.done $0x0  }
0x48: {  	s21 =	smov.u32 s4;
	[sflag:s12] =	ssyncadd.s32 $0xFFFFFB20  }
0x49: {  	_ = 	snop  }
.LBB2_10:
0x4a: {  	_ =	sfence.sel $0x180000  }
0x4b: {  	[bflag:$0x0] =	sbarrier.arrive $0xFFFF  }
0x4c: {  	_ =	strace $0x90000047  }
0x4d: {  	s0 =	sadd.s32 @!p0 $0x100000, s0;
	[bflag:$0x2] =	sbarrier.arrive $0xFFFF  }
0x4e: {  	[sflag:s0] =	ssyncadd.tile.s32 @!p0 $0x1;
	_ =	shalt  }
.Lfunc_end2:
_tile_overlayer_lowered:
.L_overlay_start_2:
0x4f: {  	(tag) =	ssettag $0x2  }
0x50: {  	s0 =	rddreg [dreg:$0x0];
	s2 =	stileid.u32  }
0x51: {  	s1 =	rddreg [dreg:$0x1];
	p0 =	sne.s32 s2, $0x0  }
0x52: {  	s3 =	rddreg [dreg:$0x2];
	[bflag:$0x3] =	sbarrier.arrive $0xFFFF;
	s2 =	simm.s32 @!p0 $0x1C02  }
0x53: {  	[timem:s3], [sflag:s2] =	dma.local @!p0 [hbm:s0], s1  }
0x54: {  	s0 =	simm.s32 @!p0 $0x2  }
0x55: {  	_ =	swait.ge @!p0 [sflag:s0], s1  }
0x56: {  	s1 =	ssub.s32 @!p0 $0x0, s1;
	[sflag:s0] =	ssyncset.done @!p0 $0x0  }
0x57: {  	[sflag:s0] =	ssyncadd.s32 @!p0 s1  }
0x58: {  	[bflag:$0x3] =	sbarrier.arrive $0xFFFF  }
0x59: {  	_ =	shalt  }

</sc_bundles>
